<compile_context>
chip_gen: v7x
topology: tpu7x:2x2x1
jax: 0.10.2.dev20260603
libtpu: 0.0.44.dev20260713+nightly
codegen_flags: <defaults>
</compile_context>

<pallas_src>
import functools

import jax
import jax.numpy as jnp
from jax import lax
from jax.experimental import pallas as pl
from jax.experimental.pallas import tpu as pltpu
from jax.experimental.pallas import tpu_sc as plsc

BATCH = 16384
LATENT = 32
NUM_CORES = 2
NUM_SUBCORES = 16
NUM_WORKERS = NUM_CORES * NUM_SUBCORES
ROWS_PER_WORKER = BATCH // NUM_WORKERS
IDX_CHUNK = 128
NUM_CHUNKS = ROWS_PER_WORKER // IDX_CHUNK
LANES = 16
GROUPS = ROWS_PER_WORKER // LANES


def _gmf_body(uidx_hbm, iidx_hbm, utab_hbm, itab_hbm, wb_hbm, out_hbm,
              uidx_v, iidx_v, urows_v, irows_v, wb_v, out_v, sem):
    wid = lax.axis_index("s") * NUM_CORES + lax.axis_index("c")

    pltpu.sync_copy(uidx_hbm.at[wid], uidx_v)
    pltpu.sync_copy(iidx_hbm.at[wid], iidx_v)
    pltpu.sync_copy(wb_hbm, wb_v)

    copies = []
    for j in range(NUM_CHUNKS):
        dst = pl.ds(j * IDX_CHUNK, IDX_CHUNK)
        copies.append(pltpu.async_copy(utab_hbm.at[uidx_v.at[j]],
                                       urows_v.at[dst], sem))
        copies.append(pltpu.async_copy(itab_hbm.at[iidx_v.at[j]],
                                       irows_v.at[dst], sem))
    for c in copies:
        c.wait()

    lane_ids = lax.iota(jnp.int32, LANES)
    w_lo = wb_v[pl.ds(0, LANES)]
    w_hi = wb_v[pl.ds(LANES, LANES)]
    bias = wb_v[pl.ds(2 * LANES, LANES)][0]

    def group_body(g, carry):
        rows = g * LANES + lane_ids
        acc = jnp.zeros((LANES,), jnp.float32) + bias
        for d in range(LATENT):
            dims = jnp.full((LANES,), d, dtype=jnp.int32)
            u = plsc.load_gather(urows_v, [rows, dims])
            v = plsc.load_gather(irows_v, [rows, dims])
            w = w_lo[d] if d < LANES else w_hi[d - LANES]
            acc = acc + u * v * w
        out_v[pl.ds(g * LANES, LANES)] = acc
        return carry

    lax.fori_loop(0, GROUPS, group_body, 0)

    pltpu.sync_copy(out_v, out_hbm.at[pl.ds(wid * ROWS_PER_WORKER,
                                            ROWS_PER_WORKER)])


@jax.jit
def kernel(user_indices, item_indices, user_table, item_table,
           affine_W, affine_b):
    ui = user_indices.astype(jnp.int32).reshape(NUM_WORKERS, NUM_CHUNKS,
                                                IDX_CHUNK)
    ii = item_indices.astype(jnp.int32).reshape(NUM_WORKERS, NUM_CHUNKS,
                                                IDX_CHUNK)
    wb = jnp.concatenate([affine_W.reshape(LATENT), affine_b,
                          jnp.zeros((15,), jnp.float32)])

    mesh = plsc.VectorSubcoreMesh(core_axis_name="c", subcore_axis_name="s")
    run = functools.partial(
        pl.kernel,
        out_type=jax.ShapeDtypeStruct((BATCH,), jnp.float32),
        mesh=mesh,
        compiler_params=pltpu.CompilerParams(needs_layout_passes=False,
                                             use_tc_tiling_on_sc=False),
        scratch_types=[
            pltpu.VMEM((NUM_CHUNKS, IDX_CHUNK), jnp.int32),
            pltpu.VMEM((NUM_CHUNKS, IDX_CHUNK), jnp.int32),
            pltpu.VMEM((ROWS_PER_WORKER, LATENT), jnp.float32),
            pltpu.VMEM((ROWS_PER_WORKER, LATENT), jnp.float32),
            pltpu.VMEM((LATENT + 16,), jnp.float32),
            pltpu.VMEM((ROWS_PER_WORKER,), jnp.float32),
            pltpu.SemaphoreType.DMA,
        ],
    )(_gmf_body)
    scores = run(ui, ii, user_table, item_table, wb)
    return scores.reshape(BATCH, 1)

# --- scband reference (transcript-rebuilt; emitter-appended) ---
"""Pipeline reference for scband-gmf-31894427140831 (READ-ONLY COPY).

The authoritative reference and input builder live on the scoring server;
editing this copy changes nothing except your own understanding.
"""

import jax, jax.numpy as jnp
import numpy as np

NUM_USERS = 1000000
NUM_ITEMS = 1000000
LATENT_DIM = 32
BATCH = 16384

def setup_inputs(seed: int = 0) -> dict:
    key = jax.random.key(seed)
    k1, k2, k3, k4, k5, k6 = jax.random.split(key, 6)
    user_indices = jax.random.randint(k1, (BATCH,), 0, NUM_USERS, dtype=jnp.int64 if jax.config.jax_enable_x64 else jnp.int32)
    item_indices = jax.random.randint(k2, (BATCH,), 0, NUM_ITEMS, dtype=jnp.int64 if jax.config.jax_enable_x64 else jnp.int32)
    user_table = jax.random.normal(k3, (NUM_USERS, LATENT_DIM), dtype=jnp.float32)
    item_table = jax.random.normal(k4, (NUM_ITEMS, LATENT_DIM), dtype=jnp.float32)
    # Linear(latent_dim -> 1), torch default init: U(-1/sqrt(fan_in), 1/sqrt(fan_in))
    bound = 1.0 / np.sqrt(LATENT_DIM)
    affine_W = jax.random.uniform(k5, (LATENT_DIM, 1), dtype=jnp.float32, minval=-bound, maxval=bound)
    affine_b = jax.random.uniform(k6, (1,), dtype=jnp.float32, minval=-bound, maxval=bound)
    return {
        "user_indices": user_indices,
        "item_indices": item_indices,
        "user_table": user_table,
        "item_table": item_table,
        "affine_W": affine_W,
        "affine_b": affine_b,
    }

def reference(user_indices, item_indices, user_table, item_table, affine_W, affine_b):
    user_embedding = jnp.take(user_table, user_indices, axis=0)
    item_embedding = jnp.take(item_table, item_indices, axis=0)
    element_product = user_embedding * item_embedding
    scores = element_product @ affine_W + affine_b
    return scores

if __name__ == "__main__":
    import jax
    _d = setup_inputs()
    print(jax.jit(kernel)(*tuple(_d.values())))

</pallas_src>

<mosaic_0001>
#map = affine_map<(d0, d1) -> (0, 0, 0)>
#map1 = affine_map<(d0, d1) -> (0, 0)>
#map2 = affine_map<(d0, d1) -> (0)>
module attributes {stable_mosaic.version = 14 : i64} {
  func.func @_gmf_body(%arg0: i32, %arg1: i32, %arg2: memref<32x4x128xi32, #tpu.memory_space<hbm>>, %arg3: memref<32x4x128xi32, #tpu.memory_space<hbm>>, %arg4: memref<1000000x32xf32, #tpu.memory_space<hbm>>, %arg5: memref<1000000x32xf32, #tpu.memory_space<hbm>>, %arg6: memref<48xf32, #tpu.memory_space<hbm>>, %arg7: memref<16384xf32, #tpu.memory_space<hbm>>, %arg8: memref<4x128xi32, #tpu.memory_space<vmem>>, %arg9: memref<4x128xi32, #tpu.memory_space<vmem>>, %arg10: memref<512x32xf32, #tpu.memory_space<vmem>>, %arg11: memref<512x32xf32, #tpu.memory_space<vmem>>, %arg12: memref<48xf32, #tpu.memory_space<vmem>>, %arg13: memref<512xf32, #tpu.memory_space<vmem>>, %arg14: memref<!tpu.dma_semaphore, #tpu.memory_space<semaphore_mem>>) attributes {dimension_semantics = [#tpu.dimension_semantics<core_parallel>, #tpu.dimension_semantics<subcore_parallel>], iteration_bounds = array<i64: 2, 16>, scalar_prefetch = 0 : i64, scratch_operands = 7 : i64, tpu.core_type = #tpu.core_type<sc_vector_subcore>, window_params = [{transform_indices = #map}, {transform_indices = #map}, {transform_indices = #map1}, {transform_indices = #map1}, {transform_indices = #map2}, {transform_indices = #map2}]} {
    %mul3A = arith.constant 2 : i32
    %mul3A_0 = arith.muli %arg1, %mul3A : i32
    %add3A = arith.addi %mul3A_0, %arg0 : i32
    "tpu.region"() ({
      %run_scoped3A = tpu.sem_alloc : memref<!tpu.dma_semaphore, #tpu.memory_space<semaphore_mem>>
      %dma_start3A_171 = arith.constant 0 : i32
      %dma_start3A_172 = arith.constant 0 : i32
      %dma_start3A_173 = tpu.memref_slice %arg2[%add3A, %dma_start3A_171, %dma_start3A_172] : memref<32x4x128xi32, #tpu.memory_space<hbm>> -> memref<1x4x128xi32, #tpu.memory_space<hbm>>
      %dma_start3A_174 = tpu.memref_squeeze %dma_start3A_173 : memref<1x4x128xi32, #tpu.memory_space<hbm>> -> memref<4x128xi32, #tpu.memory_space<hbm>>
      %dma_start3A_175 = arith.constant 0 : i32
      %dma_start3A_176 = arith.constant 0 : i32
      %dma_start3A_177 = tpu.memref_slice %arg2[%add3A, %dma_start3A_175, %dma_start3A_176] : memref<32x4x128xi32, #tpu.memory_space<hbm>> -> memref<1x4x128xi32, #tpu.memory_space<hbm>>
      %dma_start3A_178 = tpu.memref_squeeze %dma_start3A_177 : memref<1x4x128xi32, #tpu.memory_space<hbm>> -> memref<4x128xi32, #tpu.memory_space<hbm>>
      tpu.enqueue_dma source(%dma_start3A_178 : memref<4x128xi32, #tpu.memory_space<hbm>>) target(%arg8 : memref<4x128xi32, #tpu.memory_space<vmem>>) target_semaphore(%run_scoped3A : memref<!tpu.dma_semaphore, #tpu.memory_space<semaphore_mem>>)
      %dma_wait3A_179 = arith.constant 0 : i32
      %dma_wait3A_180 = arith.constant 0 : i32
      %dma_wait3A_181 = tpu.memref_slice %arg2[%add3A, %dma_wait3A_179, %dma_wait3A_180] : memref<32x4x128xi32, #tpu.memory_space<hbm>> -> memref<1x4x128xi32, #tpu.memory_space<hbm>>
      %dma_wait3A_182 = tpu.memref_squeeze %dma_wait3A_181 : memref<1x4x128xi32, #tpu.memory_space<hbm>> -> memref<4x128xi32, #tpu.memory_space<hbm>>
      %dma_wait3A_183 = arith.constant 0 : i32
      %dma_wait3A_184 = arith.constant 0 : i32
      %dma_wait3A_185 = tpu.memref_slice %arg2[%add3A, %dma_wait3A_183, %dma_wait3A_184] : memref<32x4x128xi32, #tpu.memory_space<hbm>> -> memref<1x4x128xi32, #tpu.memory_space<hbm>>
      %dma_wait3A_186 = tpu.memref_squeeze %dma_wait3A_185 : memref<1x4x128xi32, #tpu.memory_space<hbm>> -> memref<4x128xi32, #tpu.memory_space<hbm>>
      tpu.wait_dma2 semaphore(%run_scoped3A : memref<!tpu.dma_semaphore, #tpu.memory_space<semaphore_mem>>) src(%dma_wait3A_186 : memref<4x128xi32, #tpu.memory_space<hbm>>) dst(%arg8 : memref<4x128xi32, #tpu.memory_space<vmem>>)
      tpu.yield
    }) : () -> ()
    "tpu.region"() ({
      %run_scoped3A = tpu.sem_alloc : memref<!tpu.dma_semaphore, #tpu.memory_space<semaphore_mem>>
      %dma_start3A_171 = arith.constant 0 : i32
      %dma_start3A_172 = arith.constant 0 : i32
      %dma_start3A_173 = tpu.memref_slice %arg3[%add3A, %dma_start3A_171, %dma_start3A_172] : memref<32x4x128xi32, #tpu.memory_space<hbm>> -> memref<1x4x128xi32, #tpu.memory_space<hbm>>
      %dma_start3A_174 = tpu.memref_squeeze %dma_start3A_173 : memref<1x4x128xi32, #tpu.memory_space<hbm>> -> memref<4x128xi32, #tpu.memory_space<hbm>>
      %dma_start3A_175 = arith.constant 0 : i32
      %dma_start3A_176 = arith.constant 0 : i32
      %dma_start3A_177 = tpu.memref_slice %arg3[%add3A, %dma_start3A_175, %dma_start3A_176] : memref<32x4x128xi32, #tpu.memory_space<hbm>> -> memref<1x4x128xi32, #tpu.memory_space<hbm>>
      %dma_start3A_178 = tpu.memref_squeeze %dma_start3A_177 : memref<1x4x128xi32, #tpu.memory_space<hbm>> -> memref<4x128xi32, #tpu.memory_space<hbm>>
      tpu.enqueue_dma source(%dma_start3A_178 : memref<4x128xi32, #tpu.memory_space<hbm>>) target(%arg9 : memref<4x128xi32, #tpu.memory_space<vmem>>) target_semaphore(%run_scoped3A : memref<!tpu.dma_semaphore, #tpu.memory_space<semaphore_mem>>)
      %dma_wait3A_179 = arith.constant 0 : i32
      %dma_wait3A_180 = arith.constant 0 : i32
      %dma_wait3A_181 = tpu.memref_slice %arg3[%add3A, %dma_wait3A_179, %dma_wait3A_180] : memref<32x4x128xi32, #tpu.memory_space<hbm>> -> memref<1x4x128xi32, #tpu.memory_space<hbm>>
      %dma_wait3A_182 = tpu.memref_squeeze %dma_wait3A_181 : memref<1x4x128xi32, #tpu.memory_space<hbm>> -> memref<4x128xi32, #tpu.memory_space<hbm>>
      %dma_wait3A_183 = arith.constant 0 : i32
      %dma_wait3A_184 = arith.constant 0 : i32
      %dma_wait3A_185 = tpu.memref_slice %arg3[%add3A, %dma_wait3A_183, %dma_wait3A_184] : memref<32x4x128xi32, #tpu.memory_space<hbm>> -> memref<1x4x128xi32, #tpu.memory_space<hbm>>
      %dma_wait3A_186 = tpu.memref_squeeze %dma_wait3A_185 : memref<1x4x128xi32, #tpu.memory_space<hbm>> -> memref<4x128xi32, #tpu.memory_space<hbm>>
      tpu.wait_dma2 semaphore(%run_scoped3A : memref<!tpu.dma_semaphore, #tpu.memory_space<semaphore_mem>>) src(%dma_wait3A_186 : memref<4x128xi32, #tpu.memory_space<hbm>>) dst(%arg9 : memref<4x128xi32, #tpu.memory_space<vmem>>)
      tpu.yield
    }) : () -> ()
    "tpu.region"() ({
      %run_scoped3A = tpu.sem_alloc : memref<!tpu.dma_semaphore, #tpu.memory_space<semaphore_mem>>
      tpu.enqueue_dma source(%arg6 : memref<48xf32, #tpu.memory_space<hbm>>) target(%arg12 : memref<48xf32, #tpu.memory_space<vmem>>) target_semaphore(%run_scoped3A : memref<!tpu.dma_semaphore, #tpu.memory_space<semaphore_mem>>)
      tpu.wait_dma2 semaphore(%run_scoped3A : memref<!tpu.dma_semaphore, #tpu.memory_space<semaphore_mem>>) src(%arg6 : memref<48xf32, #tpu.memory_space<hbm>>) dst(%arg12 : memref<48xf32, #tpu.memory_space<vmem>>)
      tpu.yield
    }) : () -> ()
    %dma_start3A = arith.constant 0 : i32
    %dma_start3A_1 = arith.constant 0 : i32
    %dma_start3A_2 = arith.constant 0 : i32
    %dma_start3A_3 = tpu.memref_slice %arg10[%dma_start3A_1, %dma_start3A_2] : memref<512x32xf32, #tpu.memory_space<vmem>> -> memref<128x32xf32, #tpu.memory_space<vmem>>
    %dma_start3A_4 = arith.constant 0 : i32
    %dma_start3A_5 = tpu.memref_slice %arg8[%dma_start3A, %dma_start3A_4] : memref<4x128xi32, #tpu.memory_space<vmem>> -> memref<1x128xi32, #tpu.memory_space<vmem>>
    %dma_start3A_6 = tpu.memref_squeeze %dma_start3A_5 : memref<1x128xi32, #tpu.memory_space<vmem>> -> memref<128xi32, #tpu.memory_space<vmem>>
    %dma_start3A_7 = arith.constant 0 : i32
    %dma_start3A_8 = arith.constant 0 : i32
    %dma_start3A_9 = tpu.memref_slice %arg4[%dma_start3A_7, %dma_start3A_8] : memref<1000000x32xf32, #tpu.memory_space<hbm>> -> memref<1000000x32xf32, #tpu.memory_space<hbm>>
    tpu.enqueue_indirect_dma source(%dma_start3A_9 : memref<1000000x32xf32, #tpu.memory_space<hbm>>) target(%dma_start3A_3 : memref<128x32xf32, #tpu.memory_space<vmem>>) offsets(%dma_start3A_6 : memref<128xi32, #tpu.memory_space<vmem>>) semaphore(%arg14 : memref<!tpu.dma_semaphore, #tpu.memory_space<semaphore_mem>>)
    %dma_start3A_10 = arith.constant 0 : i32
    %dma_start3A_11 = arith.constant 0 : i32
    %dma_start3A_12 = arith.constant 0 : i32
    %dma_start3A_13 = tpu.memref_slice %arg11[%dma_start3A_11, %dma_start3A_12] : memref<512x32xf32, #tpu.memory_space<vmem>> -> memref<128x32xf32, #tpu.memory_space<vmem>>
    %dma_start3A_14 = arith.constant 0 : i32
    %dma_start3A_15 = tpu.memref_slice %arg9[%dma_start3A_10, %dma_start3A_14] : memref<4x128xi32, #tpu.memory_space<vmem>> -> memref<1x128xi32, #tpu.memory_space<vmem>>
    %dma_start3A_16 = tpu.memref_squeeze %dma_start3A_15 : memref<1x128xi32, #tpu.memory_space<vmem>> -> memref<128xi32, #tpu.memory_space<vmem>>
    %dma_start3A_17 = arith.constant 0 : i32
    %dma_start3A_18 = arith.constant 0 : i32
    %dma_start3A_19 = tpu.memref_slice %arg5[%dma_start3A_17, %dma_start3A_18] : memref<1000000x32xf32, #tpu.memory_space<hbm>> -> memref<1000000x32xf32, #tpu.memory_space<hbm>>
    tpu.enqueue_indirect_dma source(%dma_start3A_19 : memref<1000000x32xf32, #tpu.memory_space<hbm>>) target(%dma_start3A_13 : memref<128x32xf32, #tpu.memory_space<vmem>>) offsets(%dma_start3A_16 : memref<128xi32, #tpu.memory_space<vmem>>) semaphore(%arg14 : memref<!tpu.dma_semaphore, #tpu.memory_space<semaphore_mem>>)
    %dma_start3A_20 = arith.constant 1 : i32
    %dma_start3A_21 = arith.constant 128 : i32
    %dma_start3A_22 = arith.constant 0 : i32
    %dma_start3A_23 = tpu.memref_slice %arg10[%dma_start3A_21, %dma_start3A_22] : memref<512x32xf32, #tpu.memory_space<vmem>> -> memref<128x32xf32, #tpu.memory_space<vmem>>
    %dma_start3A_24 = arith.constant 0 : i32
    %dma_start3A_25 = tpu.memref_slice %arg8[%dma_start3A_20, %dma_start3A_24] : memref<4x128xi32, #tpu.memory_space<vmem>> -> memref<1x128xi32, #tpu.memory_space<vmem>>
    %dma_start3A_26 = tpu.memref_squeeze %dma_start3A_25 : memref<1x128xi32, #tpu.memory_space<vmem>> -> memref<128xi32, #tpu.memory_space<vmem>>
    %dma_start3A_27 = arith.constant 0 : i32
    %dma_start3A_28 = arith.constant 0 : i32
    %dma_start3A_29 = tpu.memref_slice %arg4[%dma_start3A_27, %dma_start3A_28] : memref<1000000x32xf32, #tpu.memory_space<hbm>> -> memref<1000000x32xf32, #tpu.memory_space<hbm>>
    tpu.enqueue_indirect_dma source(%dma_start3A_29 : memref<1000000x32xf32, #tpu.memory_space<hbm>>) target(%dma_start3A_23 : memref<128x32xf32, #tpu.memory_space<vmem>>) offsets(%dma_start3A_26 : memref<128xi32, #tpu.memory_space<vmem>>) semaphore(%arg14 : memref<!tpu.dma_semaphore, #tpu.memory_space<semaphore_mem>>)
    %dma_start3A_30 = arith.constant 1 : i32
    %dma_start3A_31 = arith.constant 128 : i32
    %dma_start3A_32 = arith.constant 0 : i32
    %dma_start3A_33 = tpu.memref_slice %arg11[%dma_start3A_31, %dma_start3A_32] : memref<512x32xf32, #tpu.memory_space<vmem>> -> memref<128x32xf32, #tpu.memory_space<vmem>>
    %dma_start3A_34 = arith.constant 0 : i32
    %dma_start3A_35 = tpu.memref_slice %arg9[%dma_start3A_30, %dma_start3A_34] : memref<4x128xi32, #tpu.memory_space<vmem>> -> memref<1x128xi32, #tpu.memory_space<vmem>>
    %dma_start3A_36 = tpu.memref_squeeze %dma_start3A_35 : memref<1x128xi32, #tpu.memory_space<vmem>> -> memref<128xi32, #tpu.memory_space<vmem>>
    %dma_start3A_37 = arith.constant 0 : i32
    %dma_start3A_38 = arith.constant 0 : i32
    %dma_start3A_39 = tpu.memref_slice %arg5[%dma_start3A_37, %dma_start3A_38] : memref<1000000x32xf32, #tpu.memory_space<hbm>> -> memref<1000000x32xf32, #tpu.memory_space<hbm>>
    tpu.enqueue_indirect_dma source(%dma_start3A_39 : memref<1000000x32xf32, #tpu.memory_space<hbm>>) target(%dma_start3A_33 : memref<128x32xf32, #tpu.memory_space<vmem>>) offsets(%dma_start3A_36 : memref<128xi32, #tpu.memory_space<vmem>>) semaphore(%arg14 : memref<!tpu.dma_semaphore, #tpu.memory_space<semaphore_mem>>)
    %dma_start3A_40 = arith.constant 2 : i32
    %dma_start3A_41 = arith.constant 256 : i32
    %dma_start3A_42 = arith.constant 0 : i32
    %dma_start3A_43 = tpu.memref_slice %arg10[%dma_start3A_41, %dma_start3A_42] : memref<512x32xf32, #tpu.memory_space<vmem>> -> memref<128x32xf32, #tpu.memory_space<vmem>>
    %dma_start3A_44 = arith.constant 0 : i32
    %dma_start3A_45 = tpu.memref_slice %arg8[%dma_start3A_40, %dma_start3A_44] : memref<4x128xi32, #tpu.memory_space<vmem>> -> memref<1x128xi32, #tpu.memory_space<vmem>>
    %dma_start3A_46 = tpu.memref_squeeze %dma_start3A_45 : memref<1x128xi32, #tpu.memory_space<vmem>> -> memref<128xi32, #tpu.memory_space<vmem>>
    %dma_start3A_47 = arith.constant 0 : i32
    %dma_start3A_48 = arith.constant 0 : i32
    %dma_start3A_49 = tpu.memref_slice %arg4[%dma_start3A_47, %dma_start3A_48] : memref<1000000x32xf32, #tpu.memory_space<hbm>> -> memref<1000000x32xf32, #tpu.memory_space<hbm>>
    tpu.enqueue_indirect_dma source(%dma_start3A_49 : memref<1000000x32xf32, #tpu.memory_space<hbm>>) target(%dma_start3A_43 : memref<128x32xf32, #tpu.memory_space<vmem>>) offsets(%dma_start3A_46 : memref<128xi32, #tpu.memory_space<vmem>>) semaphore(%arg14 : memref<!tpu.dma_semaphore, #tpu.memory_space<semaphore_mem>>)
    %dma_start3A_50 = arith.constant 2 : i32
    %dma_start3A_51 = arith.constant 256 : i32
    %dma_start3A_52 = arith.constant 0 : i32
    %dma_start3A_53 = tpu.memref_slice %arg11[%dma_start3A_51, %dma_start3A_52] : memref<512x32xf32, #tpu.memory_space<vmem>> -> memref<128x32xf32, #tpu.memory_space<vmem>>
    %dma_start3A_54 = arith.constant 0 : i32
    %dma_start3A_55 = tpu.memref_slice %arg9[%dma_start3A_50, %dma_start3A_54] : memref<4x128xi32, #tpu.memory_space<vmem>> -> memref<1x128xi32, #tpu.memory_space<vmem>>
    %dma_start3A_56 = tpu.memref_squeeze %dma_start3A_55 : memref<1x128xi32, #tpu.memory_space<vmem>> -> memref<128xi32, #tpu.memory_space<vmem>>
    %dma_start3A_57 = arith.constant 0 : i32
    %dma_start3A_58 = arith.constant 0 : i32
    %dma_start3A_59 = tpu.memref_slice %arg5[%dma_start3A_57, %dma_start3A_58] : memref<1000000x32xf32, #tpu.memory_space<hbm>> -> memref<1000000x32xf32, #tpu.memory_space<hbm>>
    tpu.enqueue_indirect_dma source(%dma_start3A_59 : memref<1000000x32xf32, #tpu.memory_space<hbm>>) target(%dma_start3A_53 : memref<128x32xf32, #tpu.memory_space<vmem>>) offsets(%dma_start3A_56 : memref<128xi32, #tpu.memory_space<vmem>>) semaphore(%arg14 : memref<!tpu.dma_semaphore, #tpu.memory_space<semaphore_mem>>)
    %dma_start3A_60 = arith.constant 3 : i32
    %dma_start3A_61 = arith.constant 384 : i32
    %dma_start3A_62 = arith.constant 0 : i32
    %dma_start3A_63 = tpu.memref_slice %arg10[%dma_start3A_61, %dma_start3A_62] : memref<512x32xf32, #tpu.memory_space<vmem>> -> memref<128x32xf32, #tpu.memory_space<vmem>>
    %dma_start3A_64 = arith.constant 0 : i32
    %dma_start3A_65 = tpu.memref_slice %arg8[%dma_start3A_60, %dma_start3A_64] : memref<4x128xi32, #tpu.memory_space<vmem>> -> memref<1x128xi32, #tpu.memory_space<vmem>>
    %dma_start3A_66 = tpu.memref_squeeze %dma_start3A_65 : memref<1x128xi32, #tpu.memory_space<vmem>> -> memref<128xi32, #tpu.memory_space<vmem>>
    %dma_start3A_67 = arith.constant 0 : i32
    %dma_start3A_68 = arith.constant 0 : i32
    %dma_start3A_69 = tpu.memref_slice %arg4[%dma_start3A_67, %dma_start3A_68] : memref<1000000x32xf32, #tpu.memory_space<hbm>> -> memref<1000000x32xf32, #tpu.memory_space<hbm>>
    tpu.enqueue_indirect_dma source(%dma_start3A_69 : memref<1000000x32xf32, #tpu.memory_space<hbm>>) target(%dma_start3A_63 : memref<128x32xf32, #tpu.memory_space<vmem>>) offsets(%dma_start3A_66 : memref<128xi32, #tpu.memory_space<vmem>>) semaphore(%arg14 : memref<!tpu.dma_semaphore, #tpu.memory_space<semaphore_mem>>)
    %dma_start3A_70 = arith.constant 3 : i32
    %dma_start3A_71 = arith.constant 384 : i32
    %dma_start3A_72 = arith.constant 0 : i32
    %dma_start3A_73 = tpu.memref_slice %arg11[%dma_start3A_71, %dma_start3A_72] : memref<512x32xf32, #tpu.memory_space<vmem>> -> memref<128x32xf32, #tpu.memory_space<vmem>>
    %dma_start3A_74 = arith.constant 0 : i32
    %dma_start3A_75 = tpu.memref_slice %arg9[%dma_start3A_70, %dma_start3A_74] : memref<4x128xi32, #tpu.memory_space<vmem>> -> memref<1x128xi32, #tpu.memory_space<vmem>>
    %dma_start3A_76 = tpu.memref_squeeze %dma_start3A_75 : memref<1x128xi32, #tpu.memory_space<vmem>> -> memref<128xi32, #tpu.memory_space<vmem>>
    %dma_start3A_77 = arith.constant 0 : i32
    %dma_start3A_78 = arith.constant 0 : i32
    %dma_start3A_79 = tpu.memref_slice %arg5[%dma_start3A_77, %dma_start3A_78] : memref<1000000x32xf32, #tpu.memory_space<hbm>> -> memref<1000000x32xf32, #tpu.memory_space<hbm>>
    tpu.enqueue_indirect_dma source(%dma_start3A_79 : memref<1000000x32xf32, #tpu.memory_space<hbm>>) target(%dma_start3A_73 : memref<128x32xf32, #tpu.memory_space<vmem>>) offsets(%dma_start3A_76 : memref<128xi32, #tpu.memory_space<vmem>>) semaphore(%arg14 : memref<!tpu.dma_semaphore, #tpu.memory_space<semaphore_mem>>)
    %dma_wait3A = arith.constant 0 : i32
    %dma_wait3A_80 = arith.constant 0 : i32
    %dma_wait3A_81 = arith.constant 0 : i32
    %dma_wait3A_82 = tpu.memref_slice %arg10[%dma_wait3A_80, %dma_wait3A_81] : memref<512x32xf32, #tpu.memory_space<vmem>> -> memref<128x32xf32, #tpu.memory_space<vmem>>
    %dma_wait3A_83 = arith.constant 0 : i32
    %dma_wait3A_84 = tpu.memref_slice %arg8[%dma_wait3A, %dma_wait3A_83] : memref<4x128xi32, #tpu.memory_space<vmem>> -> memref<1x128xi32, #tpu.memory_space<vmem>>
    %dma_wait3A_85 = tpu.memref_squeeze %dma_wait3A_84 : memref<1x128xi32, #tpu.memory_space<vmem>> -> memref<128xi32, #tpu.memory_space<vmem>>
    %dma_wait3A_86 = arith.constant 0 : i32
    %dma_wait3A_87 = arith.constant 0 : i32
    %dma_wait3A_88 = tpu.memref_slice %arg4[%dma_wait3A_86, %dma_wait3A_87] : memref<1000000x32xf32, #tpu.memory_space<hbm>> -> memref<1000000x32xf32, #tpu.memory_space<hbm>>
    tpu.wait_indirect_dma semaphore(%arg14 : memref<!tpu.dma_semaphore, #tpu.memory_space<semaphore_mem>>) src(%dma_wait3A_88 : memref<1000000x32xf32, #tpu.memory_space<hbm>>) dst(%dma_wait3A_82 : memref<128x32xf32, #tpu.memory_space<vmem>>)
    %dma_wait3A_89 = arith.constant 0 : i32
    %dma_wait3A_90 = arith.constant 0 : i32
    %dma_wait3A_91 = arith.constant 0 : i32
    %dma_wait3A_92 = tpu.memref_slice %arg11[%dma_wait3A_90, %dma_wait3A_91] : memref<512x32xf32, #tpu.memory_space<vmem>> -> memref<128x32xf32, #tpu.memory_space<vmem>>
    %dma_wait3A_93 = arith.constant 0 : i32
    %dma_wait3A_94 = tpu.memref_slice %arg9[%dma_wait3A_89, %dma_wait3A_93] : memref<4x128xi32, #tpu.memory_space<vmem>> -> memref<1x128xi32, #tpu.memory_space<vmem>>
    %dma_wait3A_95 = tpu.memref_squeeze %dma_wait3A_94 : memref<1x128xi32, #tpu.memory_space<vmem>> -> memref<128xi32, #tpu.memory_space<vmem>>
    %dma_wait3A_96 = arith.constant 0 : i32
    %dma_wait3A_97 = arith.constant 0 : i32
    %dma_wait3A_98 = tpu.memref_slice %arg5[%dma_wait3A_96, %dma_wait3A_97] : memref<1000000x32xf32, #tpu.memory_space<hbm>> -> memref<1000000x32xf32, #tpu.memory_space<hbm>>
    tpu.wait_indirect_dma semaphore(%arg14 : memref<!tpu.dma_semaphore, #tpu.memory_space<semaphore_mem>>) src(%dma_wait3A_98 : memref<1000000x32xf32, #tpu.memory_space<hbm>>) dst(%dma_wait3A_92 : memref<128x32xf32, #tpu.memory_space<vmem>>)
    %dma_wait3A_99 = arith.constant 1 : i32
    %dma_wait3A_100 = arith.constant 128 : i32
    %dma_wait3A_101 = arith.constant 0 : i32
    %dma_wait3A_102 = tpu.memref_slice %arg10[%dma_wait3A_100, %dma_wait3A_101] : memref<512x32xf32, #tpu.memory_space<vmem>> -> memref<128x32xf32, #tpu.memory_space<vmem>>
    %dma_wait3A_103 = arith.constant 0 : i32
    %dma_wait3A_104 = tpu.memref_slice %arg8[%dma_wait3A_99, %dma_wait3A_103] : memref<4x128xi32, #tpu.memory_space<vmem>> -> memref<1x128xi32, #tpu.memory_space<vmem>>
    %dma_wait3A_105 = tpu.memref_squeeze %dma_wait3A_104 : memref<1x128xi32, #tpu.memory_space<vmem>> -> memref<128xi32, #tpu.memory_space<vmem>>
    %dma_wait3A_106 = arith.constant 0 : i32
    %dma_wait3A_107 = arith.constant 0 : i32
    %dma_wait3A_108 = tpu.memref_slice %arg4[%dma_wait3A_106, %dma_wait3A_107] : memref<1000000x32xf32, #tpu.memory_space<hbm>> -> memref<1000000x32xf32, #tpu.memory_space<hbm>>
    tpu.wait_indirect_dma semaphore(%arg14 : memref<!tpu.dma_semaphore, #tpu.memory_space<semaphore_mem>>) src(%dma_wait3A_108 : memref<1000000x32xf32, #tpu.memory_space<hbm>>) dst(%dma_wait3A_102 : memref<128x32xf32, #tpu.memory_space<vmem>>)
    %dma_wait3A_109 = arith.constant 1 : i32
    %dma_wait3A_110 = arith.constant 128 : i32
    %dma_wait3A_111 = arith.constant 0 : i32
    %dma_wait3A_112 = tpu.memref_slice %arg11[%dma_wait3A_110, %dma_wait3A_111] : memref<512x32xf32, #tpu.memory_space<vmem>> -> memref<128x32xf32, #tpu.memory_space<vmem>>
    %dma_wait3A_113 = arith.constant 0 : i32
    %dma_wait3A_114 = tpu.memref_slice %arg9[%dma_wait3A_109, %dma_wait3A_113] : memref<4x128xi32, #tpu.memory_space<vmem>> -> memref<1x128xi32, #tpu.memory_space<vmem>>
    %dma_wait3A_115 = tpu.memref_squeeze %dma_wait3A_114 : memref<1x128xi32, #tpu.memory_space<vmem>> -> memref<128xi32, #tpu.memory_space<vmem>>
    %dma_wait3A_116 = arith.constant 0 : i32
    %dma_wait3A_117 = arith.constant 0 : i32
    %dma_wait3A_118 = tpu.memref_slice %arg5[%dma_wait3A_116, %dma_wait3A_117] : memref<1000000x32xf32, #tpu.memory_space<hbm>> -> memref<1000000x32xf32, #tpu.memory_space<hbm>>
    tpu.wait_indirect_dma semaphore(%arg14 : memref<!tpu.dma_semaphore, #tpu.memory_space<semaphore_mem>>) src(%dma_wait3A_118 : memref<1000000x32xf32, #tpu.memory_space<hbm>>) dst(%dma_wait3A_112 : memref<128x32xf32, #tpu.memory_space<vmem>>)
    %dma_wait3A_119 = arith.constant 2 : i32
    %dma_wait3A_120 = arith.constant 256 : i32
    %dma_wait3A_121 = arith.constant 0 : i32
    %dma_wait3A_122 = tpu.memref_slice %arg10[%dma_wait3A_120, %dma_wait3A_121] : memref<512x32xf32, #tpu.memory_space<vmem>> -> memref<128x32xf32, #tpu.memory_space<vmem>>
    %dma_wait3A_123 = arith.constant 0 : i32
    %dma_wait3A_124 = tpu.memref_slice %arg8[%dma_wait3A_119, %dma_wait3A_123] : memref<4x128xi32, #tpu.memory_space<vmem>> -> memref<1x128xi32, #tpu.memory_space<vmem>>
    %dma_wait3A_125 = tpu.memref_squeeze %dma_wait3A_124 : memref<1x128xi32, #tpu.memory_space<vmem>> -> memref<128xi32, #tpu.memory_space<vmem>>
    %dma_wait3A_126 = arith.constant 0 : i32
    %dma_wait3A_127 = arith.constant 0 : i32
    %dma_wait3A_128 = tpu.memref_slice %arg4[%dma_wait3A_126, %dma_wait3A_127] : memref<1000000x32xf32, #tpu.memory_space<hbm>> -> memref<1000000x32xf32, #tpu.memory_space<hbm>>
    tpu.wait_indirect_dma semaphore(%arg14 : memref<!tpu.dma_semaphore, #tpu.memory_space<semaphore_mem>>) src(%dma_wait3A_128 : memref<1000000x32xf32, #tpu.memory_space<hbm>>) dst(%dma_wait3A_122 : memref<128x32xf32, #tpu.memory_space<vmem>>)
    %dma_wait3A_129 = arith.constant 2 : i32
    %dma_wait3A_130 = arith.constant 256 : i32
    %dma_wait3A_131 = arith.constant 0 : i32
    %dma_wait3A_132 = tpu.memref_slice %arg11[%dma_wait3A_130, %dma_wait3A_131] : memref<512x32xf32, #tpu.memory_space<vmem>> -> memref<128x32xf32, #tpu.memory_space<vmem>>
    %dma_wait3A_133 = arith.constant 0 : i32
    %dma_wait3A_134 = tpu.memref_slice %arg9[%dma_wait3A_129, %dma_wait3A_133] : memref<4x128xi32, #tpu.memory_space<vmem>> -> memref<1x128xi32, #tpu.memory_space<vmem>>
    %dma_wait3A_135 = tpu.memref_squeeze %dma_wait3A_134 : memref<1x128xi32, #tpu.memory_space<vmem>> -> memref<128xi32, #tpu.memory_space<vmem>>
    %dma_wait3A_136 = arith.constant 0 : i32
    %dma_wait3A_137 = arith.constant 0 : i32
    %dma_wait3A_138 = tpu.memref_slice %arg5[%dma_wait3A_136, %dma_wait3A_137] : memref<1000000x32xf32, #tpu.memory_space<hbm>> -> memref<1000000x32xf32, #tpu.memory_space<hbm>>
    tpu.wait_indirect_dma semaphore(%arg14 : memref<!tpu.dma_semaphore, #tpu.memory_space<semaphore_mem>>) src(%dma_wait3A_138 : memref<1000000x32xf32, #tpu.memory_space<hbm>>) dst(%dma_wait3A_132 : memref<128x32xf32, #tpu.memory_space<vmem>>)
    %dma_wait3A_139 = arith.constant 3 : i32
    %dma_wait3A_140 = arith.constant 384 : i32
    %dma_wait3A_141 = arith.constant 0 : i32
    %dma_wait3A_142 = tpu.memref_slice %arg10[%dma_wait3A_140, %dma_wait3A_141] : memref<512x32xf32, #tpu.memory_space<vmem>> -> memref<128x32xf32, #tpu.memory_space<vmem>>
    %dma_wait3A_143 = arith.constant 0 : i32
    %dma_wait3A_144 = tpu.memref_slice %arg8[%dma_wait3A_139, %dma_wait3A_143] : memref<4x128xi32, #tpu.memory_space<vmem>> -> memref<1x128xi32, #tpu.memory_space<vmem>>
    %dma_wait3A_145 = tpu.memref_squeeze %dma_wait3A_144 : memref<1x128xi32, #tpu.memory_space<vmem>> -> memref<128xi32, #tpu.memory_space<vmem>>
    %dma_wait3A_146 = arith.constant 0 : i32
    %dma_wait3A_147 = arith.constant 0 : i32
    %dma_wait3A_148 = tpu.memref_slice %arg4[%dma_wait3A_146, %dma_wait3A_147] : memref<1000000x32xf32, #tpu.memory_space<hbm>> -> memref<1000000x32xf32, #tpu.memory_space<hbm>>
    tpu.wait_indirect_dma semaphore(%arg14 : memref<!tpu.dma_semaphore, #tpu.memory_space<semaphore_mem>>) src(%dma_wait3A_148 : memref<1000000x32xf32, #tpu.memory_space<hbm>>) dst(%dma_wait3A_142 : memref<128x32xf32, #tpu.memory_space<vmem>>)
    %dma_wait3A_149 = arith.constant 3 : i32
    %dma_wait3A_150 = arith.constant 384 : i32
    %dma_wait3A_151 = arith.constant 0 : i32
    %dma_wait3A_152 = tpu.memref_slice %arg11[%dma_wait3A_150, %dma_wait3A_151] : memref<512x32xf32, #tpu.memory_space<vmem>> -> memref<128x32xf32, #tpu.memory_space<vmem>>
    %dma_wait3A_153 = arith.constant 0 : i32
    %dma_wait3A_154 = tpu.memref_slice %arg9[%dma_wait3A_149, %dma_wait3A_153] : memref<4x128xi32, #tpu.memory_space<vmem>> -> memref<1x128xi32, #tpu.memory_space<vmem>>
    %dma_wait3A_155 = tpu.memref_squeeze %dma_wait3A_154 : memref<1x128xi32, #tpu.memory_space<vmem>> -> memref<128xi32, #tpu.memory_space<vmem>>
    %dma_wait3A_156 = arith.constant 0 : i32
    %dma_wait3A_157 = arith.constant 0 : i32
    %dma_wait3A_158 = tpu.memref_slice %arg5[%dma_wait3A_156, %dma_wait3A_157] : memref<1000000x32xf32, #tpu.memory_space<hbm>> -> memref<1000000x32xf32, #tpu.memory_space<hbm>>
    tpu.wait_indirect_dma semaphore(%arg14 : memref<!tpu.dma_semaphore, #tpu.memory_space<semaphore_mem>>) src(%dma_wait3A_158 : memref<1000000x32xf32, #tpu.memory_space<hbm>>) dst(%dma_wait3A_152 : memref<128x32xf32, #tpu.memory_space<vmem>>)
    %iota3A = tpu.iota {dimensions = array<i32: 0>} : vector<16xi32>
    %get3A = arith.constant 0 : index
    %get3A_159 = tpu.vector_load %arg12[%get3A] {strides = array<i32>} : memref<48xf32, #tpu.memory_space<vmem>>, vector<16xf32>,
    %get3A_160 = arith.constant 16 : index
    %get3A_161 = tpu.vector_load %arg12[%get3A_160] {strides = array<i32>} : memref<48xf32, #tpu.memory_space<vmem>>, vector<16xf32>,
    %get3A_162 = arith.constant 32 : index
    %get3A_163 = tpu.vector_load %arg12[%get3A_162] {strides = array<i32>} : memref<48xf32, #tpu.memory_space<vmem>>, vector<16xf32>,
    %slice3A = vector.extract_strided_slice %get3A_163 {offsets = [0], sizes = [1], strides = [1]} : vector<16xf32> to vector<1xf32>
    %squeeze3A = vector.extract %slice3A[0] : f32 from vector<1xf32>
    %scan3A = arith.constant 0 : i32
    %scan3A_164 = arith.constant 0 : i32
    %scan3A_165 = arith.constant 32 : i32
    %scan3A_166 = arith.addi %scan3A_164, %scan3A_165 : i32
    %scan3A_167 = arith.constant 1 : i32
    scf.for %scan3A_171 = %scan3A_164 to %scan3A_166 step %scan3A_167  : i32 {
      %mul3A_172 = arith.constant 16 : i32
      %mul3A_173 = arith.muli %scan3A_171, %mul3A_172 : i32
      %add3A_174 = vector.broadcast %mul3A_173 : i32 to vector<16xi32>
      %add3A_175 = arith.addi %add3A_174, %iota3A : vector<16xi32>
      %broadcast_in_dim3A = arith.constant 0.000000e+00 : f32
      %broadcast_in_dim3A_176 = vector.broadcast %broadcast_in_dim3A : f32 to vector<16xf32>
      %add3A_177 = vector.broadcast %squeeze3A : f32 to vector<16xf32>
      %add3A_178 = arith.addf %broadcast_in_dim3A_176, %add3A_177 : vector<16xf32>
      %broadcast_in_dim3A_179 = arith.constant 0 : i32
      %broadcast_in_dim3A_180 = vector.broadcast %broadcast_in_dim3A_179 : i32 to vector<16xi32>
      %gather3A = tpu.vector_load_idx %arg10[%add3A_175, %broadcast_in_dim3A_180] : memref<512x32xf32, #tpu.memory_space<vmem>>[vector<16xi32>, vector<16xi32>], vector<16xf32>,
      %gather3A_181 = tpu.vector_load_idx %arg11[%add3A_175, %broadcast_in_dim3A_180] : memref<512x32xf32, #tpu.memory_space<vmem>>[vector<16xi32>, vector<16xi32>], vector<16xf32>,
      %slice3A_182 = vector.extract_strided_slice %get3A_159 {offsets = [0], sizes = [1], strides = [1]} : vector<16xf32> to vector<1xf32>
      %squeeze3A_183 = vector.extract %slice3A_182[0] : f32 from vector<1xf32>
      %mul3A_184 = arith.mulf %gather3A, %gather3A_181 : vector<16xf32>
      %mul3A_185 = vector.broadcast %squeeze3A_183 : f32 to vector<16xf32>
      %mul3A_186 = arith.mulf %mul3A_184, %mul3A_185 : vector<16xf32>
      %add3A_187 = arith.addf %add3A_178, %mul3A_186 : vector<16xf32>
      %broadcast_in_dim3A_188 = arith.constant 1 : i32
      %broadcast_in_dim3A_189 = vector.broadcast %broadcast_in_dim3A_188 : i32 to vector<16xi32>
      %gather3A_190 = tpu.vector_load_idx %arg10[%add3A_175, %broadcast_in_dim3A_189] : memref<512x32xf32, #tpu.memory_space<vmem>>[vector<16xi32>, vector<16xi32>], vector<16xf32>,
      %gather3A_191 = tpu.vector_load_idx %arg11[%add3A_175, %broadcast_in_dim3A_189] : memref<512x32xf32, #tpu.memory_space<vmem>>[vector<16xi32>, vector<16xi32>], vector<16xf32>,
      %slice3A_192 = vector.extract_strided_slice %get3A_159 {offsets = [1], sizes = [1], strides = [1]} : vector<16xf32> to vector<1xf32>
      %squeeze3A_193 = vector.extract %slice3A_192[0] : f32 from vector<1xf32>
      %mul3A_194 = arith.mulf %gather3A_190, %gather3A_191 : vector<16xf32>
      %mul3A_195 = vector.broadcast %squeeze3A_193 : f32 to vector<16xf32>
      %mul3A_196 = arith.mulf %mul3A_194, %mul3A_195 : vector<16xf32>
      %add3A_197 = arith.addf %add3A_187, %mul3A_196 : vector<16xf32>
      %broadcast_in_dim3A_198 = arith.constant 2 : i32
      %broadcast_in_dim3A_199 = vector.broadcast %broadcast_in_dim3A_198 : i32 to vector<16xi32>
      %gather3A_200 = tpu.vector_load_idx %arg10[%add3A_175, %broadcast_in_dim3A_199] : memref<512x32xf32, #tpu.memory_space<vmem>>[vector<16xi32>, vector<16xi32>], vector<16xf32>,
      %gather3A_201 = tpu.vector_load_idx %arg11[%add3A_175, %broadcast_in_dim3A_199] : memref<512x32xf32, #tpu.memory_space<vmem>>[vector<16xi32>, vector<16xi32>], vector<16xf32>,
      %slice3A_202 = vector.extract_strided_slice %get3A_159 {offsets = [2], sizes = [1], strides = [1]} : vector<16xf32> to vector<1xf32>
      %squeeze3A_203 = vector.extract %slice3A_202[0] : f32 from vector<1xf32>
      %mul3A_204 = arith.mulf %gather3A_200, %gather3A_201 : vector<16xf32>
      %mul3A_205 = vector.broadcast %squeeze3A_203 : f32 to vector<16xf32>
      %mul3A_206 = arith.mulf %mul3A_204, %mul3A_205 : vector<16xf32>
      %add3A_207 = arith.addf %add3A_197, %mul3A_206 : vector<16xf32>
      %broadcast_in_dim3A_208 = arith.constant 3 : i32
      %broadcast_in_dim3A_209 = vector.broadcast %broadcast_in_dim3A_208 : i32 to vector<16xi32>
      %gather3A_210 = tpu.vector_load_idx %arg10[%add3A_175, %broadcast_in_dim3A_209] : memref<512x32xf32, #tpu.memory_space<vmem>>[vector<16xi32>, vector<16xi32>], vector<16xf32>,
      %gather3A_211 = tpu.vector_load_idx %arg11[%add3A_175, %broadcast_in_dim3A_209] : memref<512x32xf32, #tpu.memory_space<vmem>>[vector<16xi32>, vector<16xi32>], vector<16xf32>,
      %slice3A_212 = vector.extract_strided_slice %get3A_159 {offsets = [3], sizes = [1], strides = [1]} : vector<16xf32> to vector<1xf32>
      %squeeze3A_213 = vector.extract %slice3A_212[0] : f32 from vector<1xf32>
      %mul3A_214 = arith.mulf %gather3A_210, %gather3A_211 : vector<16xf32>
      %mul3A_215 = vector.broadcast %squeeze3A_213 : f32 to vector<16xf32>
      %mul3A_216 = arith.mulf %mul3A_214, %mul3A_215 : vector<16xf32>
      %add3A_217 = arith.addf %add3A_207, %mul3A_216 : vector<16xf32>
      %broadcast_in_dim3A_218 = arith.constant 4 : i32
      %broadcast_in_dim3A_219 = vector.broadcast %broadcast_in_dim3A_218 : i32 to vector<16xi32>
      %gather3A_220 = tpu.vector_load_idx %arg10[%add3A_175, %broadcast_in_dim3A_219] : memref<512x32xf32, #tpu.memory_space<vmem>>[vector<16xi32>, vector<16xi32>], vector<16xf32>,
      %gather3A_221 = tpu.vector_load_idx %arg11[%add3A_175, %broadcast_in_dim3A_219] : memref<512x32xf32, #tpu.memory_space<vmem>>[vector<16xi32>, vector<16xi32>], vector<16xf32>,
      %slice3A_222 = vector.extract_strided_slice %get3A_159 {offsets = [4], sizes = [1], strides = [1]} : vector<16xf32> to vector<1xf32>
      %squeeze3A_223 = vector.extract %slice3A_222[0] : f32 from vector<1xf32>
      %mul3A_224 = arith.mulf %gather3A_220, %gather3A_221 : vector<16xf32>
      %mul3A_225 = vector.broadcast %squeeze3A_223 : f32 to vector<16xf32>
      %mul3A_226 = arith.mulf %mul3A_224, %mul3A_225 : vector<16xf32>
      %add3A_227 = arith.addf %add3A_217, %mul3A_226 : vector<16xf32>
      %broadcast_in_dim3A_228 = arith.constant 5 : i32
      %broadcast_in_dim3A_229 = vector.broadcast %broadcast_in_dim3A_228 : i32 to vector<16xi32>
      %gather3A_230 = tpu.vector_load_idx %arg10[%add3A_175, %broadcast_in_dim3A_229] : memref<512x32xf32, #tpu.memory_space<vmem>>[vector<16xi32>, vector<16xi32>], vector<16xf32>,
      %gather3A_231 = tpu.vector_load_idx %arg11[%add3A_175, %broadcast_in_dim3A_229] : memref<512x32xf32, #tpu.memory_space<vmem>>[vector<16xi32>, vector<16xi32>], vector<16xf32>,
      %slice3A_232 = vector.extract_strided_slice %get3A_159 {offsets = [5], sizes = [1], strides = [1]} : vector<16xf32> to vector<1xf32>
      %squeeze3A_233 = vector.extract %slice3A_232[0] : f32 from vector<1xf32>
      %mul3A_234 = arith.mulf %gather3A_230, %gather3A_231 : vector<16xf32>
      %mul3A_235 = vector.broadcast %squeeze3A_233 : f32 to vector<16xf32>
      %mul3A_236 = arith.mulf %mul3A_234, %mul3A_235 : vector<16xf32>
      %add3A_237 = arith.addf %add3A_227, %mul3A_236 : vector<16xf32>
      %broadcast_in_dim3A_238 = arith.constant 6 : i32
      %broadcast_in_dim3A_239 = vector.broadcast %broadcast_in_dim3A_238 : i32 to vector<16xi32>
      %gather3A_240 = tpu.vector_load_idx %arg10[%add3A_175, %broadcast_in_dim3A_239] : memref<512x32xf32, #tpu.memory_space<vmem>>[vector<16xi32>, vector<16xi32>], vector<16xf32>,
      %gather3A_241 = tpu.vector_load_idx %arg11[%add3A_175, %broadcast_in_dim3A_239] : memref<512x32xf32, #tpu.memory_space<vmem>>[vector<16xi32>, vector<16xi32>], vector<16xf32>,
      %slice3A_242 = vector.extract_strided_slice %get3A_159 {offsets = [6], sizes = [1], strides = [1]} : vector<16xf32> to vector<1xf32>
      %squeeze3A_243 = vector.extract %slice3A_242[0] : f32 from vector<1xf32>
      %mul3A_244 = arith.mulf %gather3A_240, %gather3A_241 : vector<16xf32>
      %mul3A_245 = vector.broadcast %squeeze3A_243 : f32 to vector<16xf32>
      %mul3A_246 = arith.mulf %mul3A_244, %mul3A_245 : vector<16xf32>
      %add3A_247 = arith.addf %add3A_237, %mul3A_246 : vector<16xf32>
      %broadcast_in_dim3A_248 = arith.constant 7 : i32
      %broadcast_in_dim3A_249 = vector.broadcast %broadcast_in_dim3A_248 : i32 to vector<16xi32>
      %gather3A_250 = tpu.vector_load_idx %arg10[%add3A_175, %broadcast_in_dim3A_249] : memref<512x32xf32, #tpu.memory_space<vmem>>[vector<16xi32>, vector<16xi32>], vector<16xf32>,
      %gather3A_251 = tpu.vector_load_idx %arg11[%add3A_175, %broadcast_in_dim3A_249] : memref<512x32xf32, #tpu.memory_space<vmem>>[vector<16xi32>, vector<16xi32>], vector<16xf32>,
      %slice3A_252 = vector.extract_strided_slice %get3A_159 {offsets = [7], sizes = [1], strides = [1]} : vector<16xf32> to vector<1xf32>
      %squeeze3A_253 = vector.extract %slice3A_252[0] : f32 from vector<1xf32>
      %mul3A_254 = arith.mulf %gather3A_250, %gather3A_251 : vector<16xf32>
      %mul3A_255 = vector.broadcast %squeeze3A_253 : f32 to vector<16xf32>
      %mul3A_256 = arith.mulf %mul3A_254, %mul3A_255 : vector<16xf32>
      %add3A_257 = arith.addf %add3A_247, %mul3A_256 : vector<16xf32>
      %broadcast_in_dim3A_258 = arith.constant 8 : i32
      %broadcast_in_dim3A_259 = vector.broadcast %broadcast_in_dim3A_258 : i32 to vector<16xi32>
      %gather3A_260 = tpu.vector_load_idx %arg10[%add3A_175, %broadcast_in_dim3A_259] : memref<512x32xf32, #tpu.memory_space<vmem>>[vector<16xi32>, vector<16xi32>], vector<16xf32>,
      %gather3A_261 = tpu.vector_load_idx %arg11[%add3A_175, %broadcast_in_dim3A_259] : memref<512x32xf32, #tpu.memory_space<vmem>>[vector<16xi32>, vector<16xi32>], vector<16xf32>,
      %slice3A_262 = vector.extract_strided_slice %get3A_159 {offsets = [8], sizes = [1], strides = [1]} : vector<16xf32> to vector<1xf32>
      %squeeze3A_263 = vector.extract %slice3A_262[0] : f32 from vector<1xf32>
      %mul3A_264 = arith.mulf %gather3A_260, %gather3A_261 : vector<16xf32>
      %mul3A_265 = vector.broadcast %squeeze3A_263 : f32 to vector<16xf32>
      %mul3A_266 = arith.mulf %mul3A_264, %mul3A_265 : vector<16xf32>
      %add3A_267 = arith.addf %add3A_257, %mul3A_266 : vector<16xf32>
      %broadcast_in_dim3A_268 = arith.constant 9 : i32
      %broadcast_in_dim3A_269 = vector.broadcast %broadcast_in_dim3A_268 : i32 to vector<16xi32>
      %gather3A_270 = tpu.vector_load_idx %arg10[%add3A_175, %broadcast_in_dim3A_269] : memref<512x32xf32, #tpu.memory_space<vmem>>[vector<16xi32>, vector<16xi32>], vector<16xf32>,
      %gather3A_271 = tpu.vector_load_idx %arg11[%add3A_175, %broadcast_in_dim3A_269] : memref<512x32xf32, #tpu.memory_space<vmem>>[vector<16xi32>, vector<16xi32>], vector<16xf32>,
      %slice3A_272 = vector.extract_strided_slice %get3A_159 {offsets = [9], sizes = [1], strides = [1]} : vector<16xf32> to vector<1xf32>
      %squeeze3A_273 = vector.extract %slice3A_272[0] : f32 from vector<1xf32>
      %mul3A_274 = arith.mulf %gather3A_270, %gather3A_271 : vector<16xf32>
      %mul3A_275 = vector.broadcast %squeeze3A_273 : f32 to vector<16xf32>
      %mul3A_276 = arith.mulf %mul3A_274, %mul3A_275 : vector<16xf32>
      %add3A_277 = arith.addf %add3A_267, %mul3A_276 : vector<16xf32>
      %broadcast_in_dim3A_278 = arith.constant 10 : i32
      %broadcast_in_dim3A_279 = vector.broadcast %broadcast_in_dim3A_278 : i32 to vector<16xi32>
      %gather3A_280 = tpu.vector_load_idx %arg10[%add3A_175, %broadcast_in_dim3A_279] : memref<512x32xf32, #tpu.memory_space<vmem>>[vector<16xi32>, vector<16xi32>], vector<16xf32>,
      %gather3A_281 = tpu.vector_load_idx %arg11[%add3A_175, %broadcast_in_dim3A_279] : memref<512x32xf32, #tpu.memory_space<vmem>>[vector<16xi32>, vector<16xi32>], vector<16xf32>,
      %slice3A_282 = vector.extract_strided_slice %get3A_159 {offsets = [10], sizes = [1], strides = [1]} : vector<16xf32> to vector<1xf32>
      %squeeze3A_283 = vector.extract %slice3A_282[0] : f32 from vector<1xf32>
      %mul3A_284 = arith.mulf %gather3A_280, %gather3A_281 : vector<16xf32>
      %mul3A_285 = vector.broadcast %squeeze3A_283 : f32 to vector<16xf32>
      %mul3A_286 = arith.mulf %mul3A_284, %mul3A_285 : vector<16xf32>
      %add3A_287 = arith.addf %add3A_277, %mul3A_286 : vector<16xf32>
      %broadcast_in_dim3A_288 = arith.constant 11 : i32
      %broadcast_in_dim3A_289 = vector.broadcast %broadcast_in_dim3A_288 : i32 to vector<16xi32>
      %gather3A_290 = tpu.vector_load_idx %arg10[%add3A_175, %broadcast_in_dim3A_289] : memref<512x32xf32, #tpu.memory_space<vmem>>[vector<16xi32>, vector<16xi32>], vector<16xf32>,
      %gather3A_291 = tpu.vector_load_idx %arg11[%add3A_175, %broadcast_in_dim3A_289] : memref<512x32xf32, #tpu.memory_space<vmem>>[vector<16xi32>, vector<16xi32>], vector<16xf32>,
      %slice3A_292 = vector.extract_strided_slice %get3A_159 {offsets = [11], sizes = [1], strides = [1]} : vector<16xf32> to vector<1xf32>
      %squeeze3A_293 = vector.extract %slice3A_292[0] : f32 from vector<1xf32>
      %mul3A_294 = arith.mulf %gather3A_290, %gather3A_291 : vector<16xf32>
      %mul3A_295 = vector.broadcast %squeeze3A_293 : f32 to vector<16xf32>
      %mul3A_296 = arith.mulf %mul3A_294, %mul3A_295 : vector<16xf32>
      %add3A_297 = arith.addf %add3A_287, %mul3A_296 : vector<16xf32>
      %broadcast_in_dim3A_298 = arith.constant 12 : i32
      %broadcast_in_dim3A_299 = vector.broadcast %broadcast_in_dim3A_298 : i32 to vector<16xi32>
      %gather3A_300 = tpu.vector_load_idx %arg10[%add3A_175, %broadcast_in_dim3A_299] : memref<512x32xf32, #tpu.memory_space<vmem>>[vector<16xi32>, vector<16xi32>], vector<16xf32>,
      %gather3A_301 = tpu.vector_load_idx %arg11[%add3A_175, %broadcast_in_dim3A_299] : memref<512x32xf32, #tpu.memory_space<vmem>>[vector<16xi32>, vector<16xi32>], vector<16xf32>,
      %slice3A_302 = vector.extract_strided_slice %get3A_159 {offsets = [12], sizes = [1], strides = [1]} : vector<16xf32> to vector<1xf32>
      %squeeze3A_303 = vector.extract %slice3A_302[0] : f32 from vector<1xf32>
      %mul3A_304 = arith.mulf %gather3A_300, %gather3A_301 : vector<16xf32>
      %mul3A_305 = vector.broadcast %squeeze3A_303 : f32 to vector<16xf32>
      %mul3A_306 = arith.mulf %mul3A_304, %mul3A_305 : vector<16xf32>
      %add3A_307 = arith.addf %add3A_297, %mul3A_306 : vector<16xf32>
      %broadcast_in_dim3A_308 = arith.constant 13 : i32
      %broadcast_in_dim3A_309 = vector.broadcast %broadcast_in_dim3A_308 : i32 to vector<16xi32>
      %gather3A_310 = tpu.vector_load_idx %arg10[%add3A_175, %broadcast_in_dim3A_309] : memref<512x32xf32, #tpu.memory_space<vmem>>[vector<16xi32>, vector<16xi32>], vector<16xf32>,
      %gather3A_311 = tpu.vector_load_idx %arg11[%add3A_175, %broadcast_in_dim3A_309] : memref<512x32xf32, #tpu.memory_space<vmem>>[vector<16xi32>, vector<16xi32>], vector<16xf32>,
      %slice3A_312 = vector.extract_strided_slice %get3A_159 {offsets = [13], sizes = [1], strides = [1]} : vector<16xf32> to vector<1xf32>
      %squeeze3A_313 = vector.extract %slice3A_312[0] : f32 from vector<1xf32>
      %mul3A_314 = arith.mulf %gather3A_310, %gather3A_311 : vector<16xf32>
      %mul3A_315 = vector.broadcast %squeeze3A_313 : f32 to vector<16xf32>
      %mul3A_316 = arith.mulf %mul3A_314, %mul3A_315 : vector<16xf32>
      %add3A_317 = arith.addf %add3A_307, %mul3A_316 : vector<16xf32>
      %broadcast_in_dim3A_318 = arith.constant 14 : i32
      %broadcast_in_dim3A_319 = vector.broadcast %broadcast_in_dim3A_318 : i32 to vector<16xi32>
      %gather3A_320 = tpu.vector_load_idx %arg10[%add3A_175, %broadcast_in_dim3A_319] : memref<512x32xf32, #tpu.memory_space<vmem>>[vector<16xi32>, vector<16xi32>], vector<16xf32>,
      %gather3A_321 = tpu.vector_load_idx %arg11[%add3A_175, %broadcast_in_dim3A_319] : memref<512x32xf32, #tpu.memory_space<vmem>>[vector<16xi32>, vector<16xi32>], vector<16xf32>,
      %slice3A_322 = vector.extract_strided_slice %get3A_159 {offsets = [14], sizes = [1], strides = [1]} : vector<16xf32> to vector<1xf32>
      %squeeze3A_323 = vector.extract %slice3A_322[0] : f32 from vector<1xf32>
      %mul3A_324 = arith.mulf %gather3A_320, %gather3A_321 : vector<16xf32>
      %mul3A_325 = vector.broadcast %squeeze3A_323 : f32 to vector<16xf32>
      %mul3A_326 = arith.mulf %mul3A_324, %mul3A_325 : vector<16xf32>
      %add3A_327 = arith.addf %add3A_317, %mul3A_326 : vector<16xf32>
      %broadcast_in_dim3A_328 = arith.constant 15 : i32
      %broadcast_in_dim3A_329 = vector.broadcast %broadcast_in_dim3A_328 : i32 to vector<16xi32>
      %gather3A_330 = tpu.vector_load_idx %arg10[%add3A_175, %broadcast_in_dim3A_329] : memref<512x32xf32, #tpu.memory_space<vmem>>[vector<16xi32>, vector<16xi32>], vector<16xf32>,
      %gather3A_331 = tpu.vector_load_idx %arg11[%add3A_175, %broadcast_in_dim3A_329] : memref<512x32xf32, #tpu.memory_space<vmem>>[vector<16xi32>, vector<16xi32>], vector<16xf32>,
      %slice3A_332 = vector.extract_strided_slice %get3A_159 {offsets = [15], sizes = [1], strides = [1]} : vector<16xf32> to vector<1xf32>
      %squeeze3A_333 = vector.extract %slice3A_332[0] : f32 from vector<1xf32>
      %mul3A_334 = arith.mulf %gather3A_330, %gather3A_331 : vector<16xf32>
      %mul3A_335 = vector.broadcast %squeeze3A_333 : f32 to vector<16xf32>
      %mul3A_336 = arith.mulf %mul3A_334, %mul3A_335 : vector<16xf32>
      %add3A_337 = arith.addf %add3A_327, %mul3A_336 : vector<16xf32>
      %broadcast_in_dim3A_338 = arith.constant 16 : i32
      %broadcast_in_dim3A_339 = vector.broadcast %broadcast_in_dim3A_338 : i32 to vector<16xi32>
      %gather3A_340 = tpu.vector_load_idx %arg10[%add3A_175, %broadcast_in_dim3A_339] : memref<512x32xf32, #tpu.memory_space<vmem>>[vector<16xi32>, vector<16xi32>], vector<16xf32>,
      %gather3A_341 = tpu.vector_load_idx %arg11[%add3A_175, %broadcast_in_dim3A_339] : memref<512x32xf32, #tpu.memory_space<vmem>>[vector<16xi32>, vector<16xi32>], vector<16xf32>,
      %slice3A_342 = vector.extract_strided_slice %get3A_161 {offsets = [0], sizes = [1], strides = [1]} : vector<16xf32> to vector<1xf32>
      %squeeze3A_343 = vector.extract %slice3A_342[0] : f32 from vector<1xf32>
      %mul3A_344 = arith.mulf %gather3A_340, %gather3A_341 : vector<16xf32>
      %mul3A_345 = vector.broadcast %squeeze3A_343 : f32 to vector<16xf32>
      %mul3A_346 = arith.mulf %mul3A_344, %mul3A_345 : vector<16xf32>
      %add3A_347 = arith.addf %add3A_337, %mul3A_346 : vector<16xf32>
      %broadcast_in_dim3A_348 = arith.constant 17 : i32
      %broadcast_in_dim3A_349 = vector.broadcast %broadcast_in_dim3A_348 : i32 to vector<16xi32>
      %gather3A_350 = tpu.vector_load_idx %arg10[%add3A_175, %broadcast_in_dim3A_349] : memref<512x32xf32, #tpu.memory_space<vmem>>[vector<16xi32>, vector<16xi32>], vector<16xf32>,
      %gather3A_351 = tpu.vector_load_idx %arg11[%add3A_175, %broadcast_in_dim3A_349] : memref<512x32xf32, #tpu.memory_space<vmem>>[vector<16xi32>, vector<16xi32>], vector<16xf32>,
      %slice3A_352 = vector.extract_strided_slice %get3A_161 {offsets = [1], sizes = [1], strides = [1]} : vector<16xf32> to vector<1xf32>
      %squeeze3A_353 = vector.extract %slice3A_352[0] : f32 from vector<1xf32>
      %mul3A_354 = arith.mulf %gather3A_350, %gather3A_351 : vector<16xf32>
      %mul3A_355 = vector.broadcast %squeeze3A_353 : f32 to vector<16xf32>
      %mul3A_356 = arith.mulf %mul3A_354, %mul3A_355 : vector<16xf32>
      %add3A_357 = arith.addf %add3A_347, %mul3A_356 : vector<16xf32>
      %broadcast_in_dim3A_358 = arith.constant 18 : i32
      %broadcast_in_dim3A_359 = vector.broadcast %broadcast_in_dim3A_358 : i32 to vector<16xi32>
      %gather3A_360 = tpu.vector_load_idx %arg10[%add3A_175, %broadcast_in_dim3A_359] : memref<512x32xf32, #tpu.memory_space<vmem>>[vector<16xi32>, vector<16xi32>], vector<16xf32>,
      %gather3A_361 = tpu.vector_load_idx %arg11[%add3A_175, %broadcast_in_dim3A_359] : memref<512x32xf32, #tpu.memory_space<vmem>>[vector<16xi32>, vector<16xi32>], vector<16xf32>,
      %slice3A_362 = vector.extract_strided_slice %get3A_161 {offsets = [2], sizes = [1], strides = [1]} : vector<16xf32> to vector<1xf32>
      %squeeze3A_363 = vector.extract %slice3A_362[0] : f32 from vector<1xf32>
      %mul3A_364 = arith.mulf %gather3A_360, %gather3A_361 : vector<16xf32>
      %mul3A_365 = vector.broadcast %squeeze3A_363 : f32 to vector<16xf32>
      %mul3A_366 = arith.mulf %mul3A_364, %mul3A_365 : vector<16xf32>
      %add3A_367 = arith.addf %add3A_357, %mul3A_366 : vector<16xf32>
      %broadcast_in_dim3A_368 = arith.constant 19 : i32
      %broadcast_in_dim3A_369 = vector.broadcast %broadcast_in_dim3A_368 : i32 to vector<16xi32>
      %gather3A_370 = tpu.vector_load_idx %arg10[%add3A_175, %broadcast_in_dim3A_369] : memref<512x32xf32, #tpu.memory_space<vmem>>[vector<16xi32>, vector<16xi32>], vector<16xf32>,
      %gather3A_371 = tpu.vector_load_idx %arg11[%add3A_175, %broadcast_in_dim3A_369] : memref<512x32xf32, #tpu.memory_space<vmem>>[vector<16xi32>, vector<16xi32>], vector<16xf32>,
      %slice3A_372 = vector.extract_strided_slice %get3A_161 {offsets = [3], sizes = [1], strides = [1]} : vector<16xf32> to vector<1xf32>
      %squeeze3A_373 = vector.extract %slice3A_372[0] : f32 from vector<1xf32>
      %mul3A_374 = arith.mulf %gather3A_370, %gather3A_371 : vector<16xf32>
      %mul3A_375 = vector.broadcast %squeeze3A_373 : f32 to vector<16xf32>
      %mul3A_376 = arith.mulf %mul3A_374, %mul3A_375 : vector<16xf32>
      %add3A_377 = arith.addf %add3A_367, %mul3A_376 : vector<16xf32>
      %broadcast_in_dim3A_378 = arith.constant 20 : i32
      %broadcast_in_dim3A_379 = vector.broadcast %broadcast_in_dim3A_378 : i32 to vector<16xi32>
      %gather3A_380 = tpu.vector_load_idx %arg10[%add3A_175, %broadcast_in_dim3A_379] : memref<512x32xf32, #tpu.memory_space<vmem>>[vector<16xi32>, vector<16xi32>], vector<16xf32>,
      %gather3A_381 = tpu.vector_load_idx %arg11[%add3A_175, %broadcast_in_dim3A_379] : memref<512x32xf32, #tpu.memory_space<vmem>>[vector<16xi32>, vector<16xi32>], vector<16xf32>,
      %slice3A_382 = vector.extract_strided_slice %get3A_161 {offsets = [4], sizes = [1], strides = [1]} : vector<16xf32> to vector<1xf32>
      %squeeze3A_383 = vector.extract %slice3A_382[0] : f32 from vector<1xf32>
      %mul3A_384 = arith.mulf %gather3A_380, %gather3A_381 : vector<16xf32>
      %mul3A_385 = vector.broadcast %squeeze3A_383 : f32 to vector<16xf32>
      %mul3A_386 = arith.mulf %mul3A_384, %mul3A_385 : vector<16xf32>
      %add3A_387 = arith.addf %add3A_377, %mul3A_386 : vector<16xf32>
      %broadcast_in_dim3A_388 = arith.constant 21 : i32
      %broadcast_in_dim3A_389 = vector.broadcast %broadcast_in_dim3A_388 : i32 to vector<16xi32>
      %gather3A_390 = tpu.vector_load_idx %arg10[%add3A_175, %broadcast_in_dim3A_389] : memref<512x32xf32, #tpu.memory_space<vmem>>[vector<16xi32>, vector<16xi32>], vector<16xf32>,
      %gather3A_391 = tpu.vector_load_idx %arg11[%add3A_175, %broadcast_in_dim3A_389] : memref<512x32xf32, #tpu.memory_space<vmem>>[vector<16xi32>, vector<16xi32>], vector<16xf32>,
      %slice3A_392 = vector.extract_strided_slice %get3A_161 {offsets = [5], sizes = [1], strides = [1]} : vector<16xf32> to vector<1xf32>
      %squeeze3A_393 = vector.extract %slice3A_392[0] : f32 from vector<1xf32>
      %mul3A_394 = arith.mulf %gather3A_390, %gather3A_391 : vector<16xf32>
      %mul3A_395 = vector.broadcast %squeeze3A_393 : f32 to vector<16xf32>
      %mul3A_396 = arith.mulf %mul3A_394, %mul3A_395 : vector<16xf32>
      %add3A_397 = arith.addf %add3A_387, %mul3A_396 : vector<16xf32>
      %broadcast_in_dim3A_398 = arith.constant 22 : i32
      %broadcast_in_dim3A_399 = vector.broadcast %broadcast_in_dim3A_398 : i32 to vector<16xi32>
      %gather3A_400 = tpu.vector_load_idx %arg10[%add3A_175, %broadcast_in_dim3A_399] : memref<512x32xf32, #tpu.memory_space<vmem>>[vector<16xi32>, vector<16xi32>], vector<16xf32>,
      %gather3A_401 = tpu.vector_load_idx %arg11[%add3A_175, %broadcast_in_dim3A_399] : memref<512x32xf32, #tpu.memory_space<vmem>>[vector<16xi32>, vector<16xi32>], vector<16xf32>,
      %slice3A_402 = vector.extract_strided_slice %get3A_161 {offsets = [6], sizes = [1], strides = [1]} : vector<16xf32> to vector<1xf32>
      %squeeze3A_403 = vector.extract %slice3A_402[0] : f32 from vector<1xf32>
      %mul3A_404 = arith.mulf %gather3A_400, %gather3A_401 : vector<16xf32>
      %mul3A_405 = vector.broadcast %squeeze3A_403 : f32 to vector<16xf32>
      %mul3A_406 = arith.mulf %mul3A_404, %mul3A_405 : vector<16xf32>
      %add3A_407 = arith.addf %add3A_397, %mul3A_406 : vector<16xf32>
      %broadcast_in_dim3A_408 = arith.constant 23 : i32
      %broadcast_in_dim3A_409 = vector.broadcast %broadcast_in_dim3A_408 : i32 to vector<16xi32>
      %gather3A_410 = tpu.vector_load_idx %arg10[%add3A_175, %broadcast_in_dim3A_409] : memref<512x32xf32, #tpu.memory_space<vmem>>[vector<16xi32>, vector<16xi32>], vector<16xf32>,
      %gather3A_411 = tpu.vector_load_idx %arg11[%add3A_175, %broadcast_in_dim3A_409] : memref<512x32xf32, #tpu.memory_space<vmem>>[vector<16xi32>, vector<16xi32>], vector<16xf32>,
      %slice3A_412 = vector.extract_strided_slice %get3A_161 {offsets = [7], sizes = [1], strides = [1]} : vector<16xf32> to vector<1xf32>
      %squeeze3A_413 = vector.extract %slice3A_412[0] : f32 from vector<1xf32>
      %mul3A_414 = arith.mulf %gather3A_410, %gather3A_411 : vector<16xf32>
      %mul3A_415 = vector.broadcast %squeeze3A_413 : f32 to vector<16xf32>
      %mul3A_416 = arith.mulf %mul3A_414, %mul3A_415 : vector<16xf32>
      %add3A_417 = arith.addf %add3A_407, %mul3A_416 : vector<16xf32>
      %broadcast_in_dim3A_418 = arith.constant 24 : i32
      %broadcast_in_dim3A_419 = vector.broadcast %broadcast_in_dim3A_418 : i32 to vector<16xi32>
      %gather3A_420 = tpu.vector_load_idx %arg10[%add3A_175, %broadcast_in_dim3A_419] : memref<512x32xf32, #tpu.memory_space<vmem>>[vector<16xi32>, vector<16xi32>], vector<16xf32>,
      %gather3A_421 = tpu.vector_load_idx %arg11[%add3A_175, %broadcast_in_dim3A_419] : memref<512x32xf32, #tpu.memory_space<vmem>>[vector<16xi32>, vector<16xi32>], vector<16xf32>,
      %slice3A_422 = vector.extract_strided_slice %get3A_161 {offsets = [8], sizes = [1], strides = [1]} : vector<16xf32> to vector<1xf32>
      %squeeze3A_423 = vector.extract %slice3A_422[0] : f32 from vector<1xf32>
      %mul3A_424 = arith.mulf %gather3A_420, %gather3A_421 : vector<16xf32>
      %mul3A_425 = vector.broadcast %squeeze3A_423 : f32 to vector<16xf32>
      %mul3A_426 = arith.mulf %mul3A_424, %mul3A_425 : vector<16xf32>
      %add3A_427 = arith.addf %add3A_417, %mul3A_426 : vector<16xf32>
      %broadcast_in_dim3A_428 = arith.constant 25 : i32
      %broadcast_in_dim3A_429 = vector.broadcast %broadcast_in_dim3A_428 : i32 to vector<16xi32>
      %gather3A_430 = tpu.vector_load_idx %arg10[%add3A_175, %broadcast_in_dim3A_429] : memref<512x32xf32, #tpu.memory_space<vmem>>[vector<16xi32>, vector<16xi32>], vector<16xf32>,
      %gather3A_431 = tpu.vector_load_idx %arg11[%add3A_175, %broadcast_in_dim3A_429] : memref<512x32xf32, #tpu.memory_space<vmem>>[vector<16xi32>, vector<16xi32>], vector<16xf32>,
      %slice3A_432 = vector.extract_strided_slice %get3A_161 {offsets = [9], sizes = [1], strides = [1]} : vector<16xf32> to vector<1xf32>
      %squeeze3A_433 = vector.extract %slice3A_432[0] : f32 from vector<1xf32>
      %mul3A_434 = arith.mulf %gather3A_430, %gather3A_431 : vector<16xf32>
      %mul3A_435 = vector.broadcast %squeeze3A_433 : f32 to vector<16xf32>
      %mul3A_436 = arith.mulf %mul3A_434, %mul3A_435 : vector<16xf32>
      %add3A_437 = arith.addf %add3A_427, %mul3A_436 : vector<16xf32>
      %broadcast_in_dim3A_438 = arith.constant 26 : i32
      %broadcast_in_dim3A_439 = vector.broadcast %broadcast_in_dim3A_438 : i32 to vector<16xi32>
      %gather3A_440 = tpu.vector_load_idx %arg10[%add3A_175, %broadcast_in_dim3A_439] : memref<512x32xf32, #tpu.memory_space<vmem>>[vector<16xi32>, vector<16xi32>], vector<16xf32>,
      %gather3A_441 = tpu.vector_load_idx %arg11[%add3A_175, %broadcast_in_dim3A_439] : memref<512x32xf32, #tpu.memory_space<vmem>>[vector<16xi32>, vector<16xi32>], vector<16xf32>,
      %slice3A_442 = vector.extract_strided_slice %get3A_161 {offsets = [10], sizes = [1], strides = [1]} : vector<16xf32> to vector<1xf32>
      %squeeze3A_443 = vector.extract %slice3A_442[0] : f32 from vector<1xf32>
      %mul3A_444 = arith.mulf %gather3A_440, %gather3A_441 : vector<16xf32>
      %mul3A_445 = vector.broadcast %squeeze3A_443 : f32 to vector<16xf32>
      %mul3A_446 = arith.mulf %mul3A_444, %mul3A_445 : vector<16xf32>
      %add3A_447 = arith.addf %add3A_437, %mul3A_446 : vector<16xf32>
      %broadcast_in_dim3A_448 = arith.constant 27 : i32
      %broadcast_in_dim3A_449 = vector.broadcast %broadcast_in_dim3A_448 : i32 to vector<16xi32>
      %gather3A_450 = tpu.vector_load_idx %arg10[%add3A_175, %broadcast_in_dim3A_449] : memref<512x32xf32, #tpu.memory_space<vmem>>[vector<16xi32>, vector<16xi32>], vector<16xf32>,
      %gather3A_451 = tpu.vector_load_idx %arg11[%add3A_175, %broadcast_in_dim3A_449] : memref<512x32xf32, #tpu.memory_space<vmem>>[vector<16xi32>, vector<16xi32>], vector<16xf32>,
      %slice3A_452 = vector.extract_strided_slice %get3A_161 {offsets = [11], sizes = [1], strides = [1]} : vector<16xf32> to vector<1xf32>
      %squeeze3A_453 = vector.extract %slice3A_452[0] : f32 from vector<1xf32>
      %mul3A_454 = arith.mulf %gather3A_450, %gather3A_451 : vector<16xf32>
      %mul3A_455 = vector.broadcast %squeeze3A_453 : f32 to vector<16xf32>
      %mul3A_456 = arith.mulf %mul3A_454, %mul3A_455 : vector<16xf32>
      %add3A_457 = arith.addf %add3A_447, %mul3A_456 : vector<16xf32>
      %broadcast_in_dim3A_458 = arith.constant 28 : i32
      %broadcast_in_dim3A_459 = vector.broadcast %broadcast_in_dim3A_458 : i32 to vector<16xi32>
      %gather3A_460 = tpu.vector_load_idx %arg10[%add3A_175, %broadcast_in_dim3A_459] : memref<512x32xf32, #tpu.memory_space<vmem>>[vector<16xi32>, vector<16xi32>], vector<16xf32>,
      %gather3A_461 = tpu.vector_load_idx %arg11[%add3A_175, %broadcast_in_dim3A_459] : memref<512x32xf32, #tpu.memory_space<vmem>>[vector<16xi32>, vector<16xi32>], vector<16xf32>,
      %slice3A_462 = vector.extract_strided_slice %get3A_161 {offsets = [12], sizes = [1], strides = [1]} : vector<16xf32> to vector<1xf32>
      %squeeze3A_463 = vector.extract %slice3A_462[0] : f32 from vector<1xf32>
      %mul3A_464 = arith.mulf %gather3A_460, %gather3A_461 : vector<16xf32>
      %mul3A_465 = vector.broadcast %squeeze3A_463 : f32 to vector<16xf32>
      %mul3A_466 = arith.mulf %mul3A_464, %mul3A_465 : vector<16xf32>
      %add3A_467 = arith.addf %add3A_457, %mul3A_466 : vector<16xf32>
      %broadcast_in_dim3A_468 = arith.constant 29 : i32
      %broadcast_in_dim3A_469 = vector.broadcast %broadcast_in_dim3A_468 : i32 to vector<16xi32>
      %gather3A_470 = tpu.vector_load_idx %arg10[%add3A_175, %broadcast_in_dim3A_469] : memref<512x32xf32, #tpu.memory_space<vmem>>[vector<16xi32>, vector<16xi32>], vector<16xf32>,
      %gather3A_471 = tpu.vector_load_idx %arg11[%add3A_175, %broadcast_in_dim3A_469] : memref<512x32xf32, #tpu.memory_space<vmem>>[vector<16xi32>, vector<16xi32>], vector<16xf32>,
      %slice3A_472 = vector.extract_strided_slice %get3A_161 {offsets = [13], sizes = [1], strides = [1]} : vector<16xf32> to vector<1xf32>
      %squeeze3A_473 = vector.extract %slice3A_472[0] : f32 from vector<1xf32>
      %mul3A_474 = arith.mulf %gather3A_470, %gather3A_471 : vector<16xf32>
      %mul3A_475 = vector.broadcast %squeeze3A_473 : f32 to vector<16xf32>
      %mul3A_476 = arith.mulf %mul3A_474, %mul3A_475 : vector<16xf32>
      %add3A_477 = arith.addf %add3A_467, %mul3A_476 : vector<16xf32>
      %broadcast_in_dim3A_478 = arith.constant 30 : i32
      %broadcast_in_dim3A_479 = vector.broadcast %broadcast_in_dim3A_478 : i32 to vector<16xi32>
      %gather3A_480 = tpu.vector_load_idx %arg10[%add3A_175, %broadcast_in_dim3A_479] : memref<512x32xf32, #tpu.memory_space<vmem>>[vector<16xi32>, vector<16xi32>], vector<16xf32>,
      %gather3A_481 = tpu.vector_load_idx %arg11[%add3A_175, %broadcast_in_dim3A_479] : memref<512x32xf32, #tpu.memory_space<vmem>>[vector<16xi32>, vector<16xi32>], vector<16xf32>,
      %slice3A_482 = vector.extract_strided_slice %get3A_161 {offsets = [14], sizes = [1], strides = [1]} : vector<16xf32> to vector<1xf32>
      %squeeze3A_483 = vector.extract %slice3A_482[0] : f32 from vector<1xf32>
      %mul3A_484 = arith.mulf %gather3A_480, %gather3A_481 : vector<16xf32>
      %mul3A_485 = vector.broadcast %squeeze3A_483 : f32 to vector<16xf32>
      %mul3A_486 = arith.mulf %mul3A_484, %mul3A_485 : vector<16xf32>
      %add3A_487 = arith.addf %add3A_477, %mul3A_486 : vector<16xf32>
      %broadcast_in_dim3A_488 = arith.constant 31 : i32
      %broadcast_in_dim3A_489 = vector.broadcast %broadcast_in_dim3A_488 : i32 to vector<16xi32>
      %gather3A_490 = tpu.vector_load_idx %arg10[%add3A_175, %broadcast_in_dim3A_489] : memref<512x32xf32, #tpu.memory_space<vmem>>[vector<16xi32>, vector<16xi32>], vector<16xf32>,
      %gather3A_491 = tpu.vector_load_idx %arg11[%add3A_175, %broadcast_in_dim3A_489] : memref<512x32xf32, #tpu.memory_space<vmem>>[vector<16xi32>, vector<16xi32>], vector<16xf32>,
      %slice3A_492 = vector.extract_strided_slice %get3A_161 {offsets = [15], sizes = [1], strides = [1]} : vector<16xf32> to vector<1xf32>
      %squeeze3A_493 = vector.extract %slice3A_492[0] : f32 from vector<1xf32>
      %mul3A_494 = arith.mulf %gather3A_490, %gather3A_491 : vector<16xf32>
      %mul3A_495 = vector.broadcast %squeeze3A_493 : f32 to vector<16xf32>
      %mul3A_496 = arith.mulf %mul3A_494, %mul3A_495 : vector<16xf32>
      %add3A_497 = arith.addf %add3A_487, %mul3A_496 : vector<16xf32>
      %mul3A_498 = arith.constant 16 : i32
      %mul3A_499 = arith.muli %scan3A_171, %mul3A_498 : i32
      %swap3A = arith.index_cast %mul3A_499 : i32 to index
      %swap3A_500 = tpu.vector_load %arg13[%swap3A] {strides = array<i32>} : memref<512xf32, #tpu.memory_space<vmem>>, vector<16xf32>,
      tpu.vector_store %arg13[%swap3A], %add3A_497 {strides = array<i32>} : memref<512xf32, #tpu.memory_space<vmem>>, vector<16xf32>,
    }
    %scan3A_168 = arith.constant 32 : i32
    %mul3A_169 = arith.constant 512 : i32
    %mul3A_170 = arith.muli %add3A, %mul3A_169 : i32
    "tpu.region"() ({
      %run_scoped3A = tpu.sem_alloc : memref<!tpu.dma_semaphore, #tpu.memory_space<semaphore_mem>>
      %dma_start3A_171 = tpu.memref_slice %arg7[%mul3A_170] : memref<16384xf32, #tpu.memory_space<hbm>> -> memref<512xf32, #tpu.memory_space<hbm>>
      %dma_start3A_172 = tpu.memref_slice %arg7[%mul3A_170] : memref<16384xf32, #tpu.memory_space<hbm>> -> memref<512xf32, #tpu.memory_space<hbm>>
      tpu.enqueue_dma source(%arg13 : memref<512xf32, #tpu.memory_space<vmem>>) target(%dma_start3A_172 : memref<512xf32, #tpu.memory_space<hbm>>) target_semaphore(%run_scoped3A : memref<!tpu.dma_semaphore, #tpu.memory_space<semaphore_mem>>)
      %dma_wait3A_173 = tpu.memref_slice %arg7[%mul3A_170] : memref<16384xf32, #tpu.memory_space<hbm>> -> memref<512xf32, #tpu.memory_space<hbm>>
      %dma_wait3A_174 = tpu.memref_slice %arg7[%mul3A_170] : memref<16384xf32, #tpu.memory_space<hbm>> -> memref<512xf32, #tpu.memory_space<hbm>>
      tpu.wait_dma2 semaphore(%run_scoped3A : memref<!tpu.dma_semaphore, #tpu.memory_space<semaphore_mem>>) src(%arg13 : memref<512xf32, #tpu.memory_space<vmem>>) dst(%dma_wait3A_174 : memref<512xf32, #tpu.memory_space<hbm>>)
      tpu.yield
    }) : () -> ()
    return
  }
}

</mosaic_0001>

<sc_bundles>
// kernel: kernel.3.cloned.1.call-start
scs
__scs_entry_jumppad:
0x0: {  	(pc) =	sbr.rel $0x88, $3  }
0x1: {  	(tag) =	ssettag $0x0;
	lr =	simm.s32 $0x1  }
0x2: {  	[smem:$0x3F9B] =	sst lr;
	_ =	strace $0xD0000000  }
0x3: {  	_ = 	snop  }
0x4: {  	_ = 	snop  }
0x5: {  	_ = 	snop  }
0x6: {  	_ = 	snop  }
0x7: {  	_ = 	snop  }
__scs_overlays_trampoline_lowered:
0x8: {  	[smem:$0x3FAA] =	sst s0  }
0x9: {  	[smem:$0x3FAB] =	sst s1  }
0xa: {  	[smem:$0x3FAC] =	sst s2  }
0xb: {  	[smem:$0x3FAD] =	sst s3  }
0xc: {  	[smem:$0x3FAE] =	sst s4  }
0xd: {  	[smem:$0x3FAF] =	sst s5  }
0xe: {  	[smem:$0x3FB0] =	sst s6  }
0xf: {  	[smem:$0x3FB1] =	sst s7  }
0x10: {  	[smem:$0x3FB2] =	sst s8  }
0x11: {  	[smem:$0x3FB3] =	sst s9;
	s0 =	simm.s32 @!p0 $0x0  }
0x12: {  	s1 =	sld [smem:$0x3F99];
	s0 =	simm.s32 @p0 $0x1  }
0x13: {  	[smem:$0x3FB4] =	sst s0;
	s0 =	simm.s32 @!p1 $0x0  }
0x14: {  	s2 =	sld [smem:$0x3F98];
	s0 =	simm.s32 @p1 $0x1  }
0x15: {  	[smem:$0x3FB5] =	sst s0;
	s0 =	simm.s32 @!p2 $0x0  }
0x16: {  	s3 =	sld [smem:$0x3FDB];
	s0 =	simm.s32 @p2 $0x1  }
0x17: {  	s4 =	simm.s32 $0x1BF5;
	[smem:$0x3FB7] =	sst s0  }
0x18: {  	s0 =	sld [smem:$0x3F9A];
	_ =	swait.ge [sflag:s4], $0x0  }
0x19: {  	s7 =	sld [smem:$0x3F9B]  }
0x1a: {  	s8 =	sadd.s32 $0xFFFFE003, lr  }
0x1b: {  	s9 =	sadd.s32 $0xFFFFFEF7, lr;
	s5 =	simm.s32 $0xFFFFFFFF;
	p2 =	slt.u32 s8, $0xFFFFF086  }
0x1c: {  	p1 =	slt.u32 s9, $0xF7A;
	s5 =	simm.s32 @!p2 $0x0  }
0x1d: {  	s5 =	simm.s32 @p1 $0x1;
	p0 =	seq.s32 s7, s2  }
0x1e: {  	s7 =	smul.u32 @!p0 $0xF7A, s2;
	p2 =	seq.s32 @!p0 s5, $0x0  }
0x1f: {  	s9 =	smul.u32 $0xF7A, s1;
	s8 =	simm.s32 @!p0 $0x1BF5;
	p2 =	por !p2, p0  }
0x20: {  	[sflag:s8] =	ssyncset.s32 @!p0 $0xFFFFF086;
	s6 =	sadd.s32 @!p0 s3, s7;
	s7 =	simm.s32 @!p0 $0x108  }
0x21: {  	s3 =	sadd.s32 s3, s9;
	s6 =	sadd.s32 @!p0 $0x88, s6;
	s7 =	simm.s32 @p2 $0x1082  }
0x22: {  	[simem:s7], [sflag:s8] =	dma.local @!p0 [hbm:s6], $0xF7A  }
0x23: {  	s9 =	sor.u32 $0xD0000000, s2;
	s6 =	simm.s32 $0x108;
	_ =	swait.ge @!p0 [sflag:s8], $0x0  }
0x24: {  	s3 =	sadd.s32 $0x88, s3;
	s6 =	simm.s32 @!p1 $0x1082;
	[sflag:s4] =	ssyncset.s32 $0xFFFFF086  }
0x25: {  	[simem:s6], [sflag:s4] =	dma.local [hbm:s3], $0xF7A  }
0x26: {  	[smem:$0x3F9B] =	sst s1;
	(tag) =	ssettag s2;
	_ =	strace s9  }
0x27: {  	s1 =	sld [smem:$0x3FAB]  }
0x28: {  	s2 =	sld [smem:$0x3FAC]  }
0x29: {  	s4 =	sld [smem:$0x3FAE]  }
0x2a: {  	p0 =	seq.s32 s5, $0x0;
	s5 =	sld [smem:$0x3FAF]  }
0x2b: {  	s6 =	sld [smem:$0x3FB0]  }
0x2c: {  	s7 =	sld [smem:$0x3FB1]  }
0x2d: {  	s3 =	simm.s32 $0x108;
	s8 =	sld [smem:$0x3FB2]  }
0x2e: {  	s3 =	simm.s32 @!p0 $0x1082;
	s9 =	sld [smem:$0x3FB3]  }
0x2f: {  	lr =	sadd.s32 s0, s3;
	s0 =	sld [smem:$0x3FAA]  }
0x30: {  	s3 =	sld [smem:$0x3FAD]  }
0x31: {  	[smem:$0x3FB6] =	sst s10  }
0x32: {  	s10 =	sld [smem:$0x3FB4];
	_ =	sdelay $0x3  }
0x33: {  	p0 =	seq.s32 s10, $0x1;
	s10 =	sld [smem:$0x3FB6];
	_ =	sdelay $0x3  }
0x34: {  	[smem:$0x3FB6] =	sst s10  }
0x35: {  	s10 =	sld [smem:$0x3FB5];
	_ =	sdelay $0x3  }
0x36: {  	p1 =	seq.s32 s10, $0x1;
	s10 =	sld [smem:$0x3FB6];
	_ =	sdelay $0x3  }
0x37: {  	[smem:$0x3FB6] =	sst s10  }
0x38: {  	s10 =	sld [smem:$0x3FB7]  }
0x39: {  	_ = 	snop;
	(pc) =	sbr.ind lr, $3  }
0x3a: {  	_ = 	snop  }
0x3b: {  	_ = 	snop  }
0x3c: {  	p2 =	seq.s32 s10, $0x1;
	s10 =	sld [smem:$0x3FB6]  }
0x3d: {  	_ =	shalt  }
0x3e: {  	_ =	shalt  }
0x3f: {  	_ =	shalt  }
0x40: {  	_ =	shalt  }
0x41: {  	_ =	shalt  }
0x42: {  	_ =	shalt  }
0x43: {  	_ =	shalt  }
0x44: {  	_ =	shalt  }
0x45: {  	_ =	shalt  }
0x46: {  	_ =	shalt  }
0x47: {  	_ =	shalt  }
0x48: {  	_ =	shalt  }
0x49: {  	_ =	shalt  }
0x4a: {  	_ =	shalt  }
0x4b: {  	_ =	shalt  }
0x4c: {  	_ =	shalt  }
0x4d: {  	_ =	shalt  }
0x4e: {  	_ =	shalt  }
0x4f: {  	_ =	shalt  }
0x50: {  	_ =	shalt  }
0x51: {  	_ =	shalt  }
0x52: {  	_ =	shalt  }
0x53: {  	_ =	shalt  }
0x54: {  	_ =	shalt  }
0x55: {  	_ =	shalt  }
0x56: {  	_ =	shalt  }
0x57: {  	_ =	shalt  }
0x58: {  	_ =	shalt  }
0x59: {  	_ =	shalt  }
0x5a: {  	_ =	shalt  }
0x5b: {  	_ =	shalt  }
0x5c: {  	_ =	shalt  }
0x5d: {  	_ =	shalt  }
0x5e: {  	_ =	shalt  }
0x5f: {  	_ =	shalt  }
0x60: {  	_ =	shalt  }
0x61: {  	_ =	shalt  }
0x62: {  	_ =	shalt  }
0x63: {  	_ =	shalt  }
0x64: {  	_ =	shalt  }
0x65: {  	_ =	shalt  }
0x66: {  	_ =	shalt  }
0x67: {  	_ =	shalt  }
0x68: {  	_ =	shalt  }
0x69: {  	_ =	shalt  }
0x6a: {  	_ =	shalt  }
0x6b: {  	_ =	shalt  }
0x6c: {  	_ =	shalt  }
0x6d: {  	_ =	shalt  }
0x6e: {  	_ =	shalt  }
0x6f: {  	_ =	shalt  }
0x70: {  	_ =	shalt  }
0x71: {  	_ =	shalt  }
0x72: {  	_ =	shalt  }
0x73: {  	_ =	shalt  }
0x74: {  	_ =	shalt  }
0x75: {  	_ =	shalt  }
0x76: {  	_ =	shalt  }
0x77: {  	_ =	shalt  }
0x78: {  	_ =	shalt  }
0x79: {  	_ =	shalt  }
0x7a: {  	_ =	shalt  }
0x7b: {  	_ =	shalt  }
0x7c: {  	_ =	shalt  }
0x7d: {  	_ =	shalt  }
0x7e: {  	_ =	shalt  }
0x7f: {  	_ =	shalt  }
0x80: {  	_ =	shalt  }
0x81: {  	_ =	shalt  }
0x82: {  	_ =	shalt  }
0x83: {  	_ =	shalt  }
0x84: {  	_ =	shalt  }
0x85: {  	_ =	shalt  }
0x86: {  	_ =	shalt  }
0x87: {  	_ =	shalt  }
.Lfunc_end0:
.L_simem_size_0:
called_computation_lowered:
.L_overlay_start_0:
0x88: {  	s2 =	sld [smem:$0x3FD9]  }
0x89: {  	s3 =	sld [smem:$0x3FFE];
	_ =	sdelay $0x1  }
0x8a: {  	s1 =	srdreg.scid  }
0x8b: {  	s0 =	sand.u32 $0x1, s1  }
0x8c: {  	s17 =	sshll.u32 s0, $0xA;
	s2 =	sadd.s32 s3, s2  }
0x8d: {  	s2 =	sadd.s32 s2, s17  }
0x8e: {  	[smem:$0x3FC2] =	sst s2  }
0x8f: {  	_ = 	snop  }
0x90: {  	s2 =	sld [smem:$0x3FC9]  }
0x91: {  	s18 =	sld [smem:$0x3FC8]  }
0x92: {  	s4 =	sld [smem:$0x3FD0];
	(tm) =	ssettm $0x1  }
0x93: {  	s5 =	sld [smem:$0x3FFB];
	_ =	sdelay $0x3  }
0x94: {  	_ =	strace s5  }
0x95: {  	s5 =	sld [smem:$0x3FFC];
	_ =	sdelay $0x3  }
0x96: {  	_ =	strace s5  }
0x97: {  	s5 =	sld [smem:$0x3FFD];
	_ =	sdelay $0x3  }
0x98: {  	_ =	strace s5  }
0x99: {  	_ =	strace $0x8FFFFFFF  }
0x9a: {  	s19 =	sld [smem:$0x3FDB];
	_ =	sdelay $0x1  }
0x9b: {  	s6 =	simm.s32 $_scs_section_size  }
0x9c: {  	s7 =	simm.s32 $_size__tile_overlayer_lowered;
	s8 =	simm.s32 $_tile_overlayer_lowered  }
0x9d: {  	s22 =	simm.s32 $0x1BFF;
	s21 =	sshll.u32 s8, $0x1;
	s5 =	sadd.s32 s6, s19  }
0x9e: {  	s9 =	simm.s32 $0x0;
	s20 =	sshll.u32 s7, $0x1;
	s7 =	sadd.s32 s21, s5  }
0x9f: {  	[timem:s9], [sflag:s22] =	dma.local [hbm:s7], s20  }
0xa0: {  	_ =	swait.ge [sflag:s22], s20  }
0xa1: {  	s6 =	ssub.s32 $0x0, s20;
	[sflag:s22] =	ssyncset.done $0x0  }
0xa2: {  	[sflag:s22] =	ssyncadd.s32 s6;
	_ =	sdelay $0x1  }
0xa3: {  	s23 =	simm.s32 $0x1B8B  }
0xa4: {  	_ =	swait.ge [sflag:s23], $0x1  }
0xa5: {  	[sflag:s23] =	ssyncset.done $0x0  }
0xa6: {  	s25 =	simm.s32 $0x1B8E;
	s24 =	sld [smem:$0x3FFE];
	[sflag:s23] =	ssyncadd.s32 $0xFFFFFFFF  }
0xa7: {  	s26 =	simm.s32 $execute0_lowered;
	[smem:$0x3FD2] =	sst s25  }
0xa8: {  	s7 =	sshll.u32 s26, $0x1;
	_ =	strace $0x80000046;
	[dreg:$0x1] =	wrdreg $0xFFFFFFFF  }
0xa9: {  	s28 =	simm.s32 $_size_execute0_lowered;
	s5 =	sadd.s32 s5, s7;
	[dreg:$0x0] =	wrdreg $0x0  }
0xaa: {  	s7 =	sshll.u32 s28, $0x1;
	[dreg:$0x2] =	wrdreg s5  }
0xab: {  	[dreg:$0x3] =	wrdreg s7  }
0xac: {  	[dreg:$0x4] =	wrdreg $0xC0  }
0xad: {  	_ =	task [dreg:s9], $0x5FFFF  }
0xae: {  	[dreg:$0x1] =	wrdreg $0xFFFFFFFF  }
0xaf: {  	[dreg:$0x0] =	wrdreg $0x60  }
0xb0: {  	[dreg:$0x2] =	wrdreg s2  }
0xb1: {  	[dreg:$0x3] =	wrdreg s18  }
0xb2: {  	[dreg:$0x4] =	wrdreg s24  }
0xb3: {  	[dreg:$0x5] =	wrdreg s4  }
0xb4: {  	[dreg:$0x6] =	wrdreg $0x9  }
0xb5: {  	_ =	task.clear_ibuf [dreg:s9], $0x7FFFF;
	_ =	strace $0x90000046  }
0xb6: {  	s29 =	simm.s32 $0x9;
	_ =	strace $0x80000048  }
0xb7: {  	_ =	swait.ge [sflag:s29], $0x1  }
0xb8: {  	[sflag:s29] =	ssyncadd.s32 $0xFFFFFFFF  }
0xb9: {  	_ =	strace $0x90000048  }
0xba: {  	_ =	sfence  }
0xbb: {  	s30 =	sld [smem:$0x0];
	_ =	sdelay $0x2  }
0xbc: {  	s31 =	sshll.u32 s1, $0xD;
	s1 =	sshrl.u32 s1, $0x2  }
0xbd: {  	s3 =	sand.u32 $0x4000, s31;
	s1 =	sadd.s32 s1, s30  }
0xbe: {  	s0 =	sor.u32 s3, s0;
	s1 =	sshll.u32 s1, $0x11  }
0xbf: {  	s0 =	sor.u32 s1, s0  }
0xc0: {  	s0 =	sadd.s32 $0x8F2B, s0  }
0xc1: {  	[sflag:s0] =	ssyncadd.remote.s32 $0x1  }
0xc2: {  	_ =	sfence.sel $0xFFFF  }
0xc3: {  	[dreg:$0x0] =	wrdreg $0xFFFFFFFF;
	(pc) =	sbr.abs _section_cstart, $3  }
0xc4: {  	[dreg:$0x1] =	wrdreg $0xFFFFFFFF  }
0xc5: {  	_ =	task.clear_ibuf [dreg:s9], $0x2FFFF;
	_ =	strace $0x9FFFFFFF  }
0xc6: {  	(tm) =	ssettm $0x7FFFFFFF  }
0xc7: {  	_ =	shalt  }
tec
execute0_lowered:
.L_overlay_start_1:
0x0: {  	(tag) =	ssettag $0x1  }
0x1: {  	s0 =	rddreg [dreg:$0x0]  }
0x2: {  	s7 =	rddreg [dreg:$0x1]  }
0x3: {  	s5 =	rddreg [dreg:$0x2]  }
0x4: {  	s8 =	rddreg [dreg:$0x3]  }
0x5: {  	s1 =	simm.s32 $0x0;
	s2 =	srdreg.scid;
	s12 =	simm.s32 $0x8400  }
0x6: {  	s13 =	simm.s32 $0x80;
	s14 =	simm.s32 $0x400;
	s15 =	simm.s32 $0x4400  }
0x7: {  	s16 =	simm.s32 $0x1400;
	s17 =	simm.s32 $0x280;
	s18 =	simm.s32 $0x5400  }
0x8: {  	s19 =	simm.s32 $0x100;
	s20 =	simm.s32 $0x2400;
	s21 =	simm.s32 $0x300  }
0x9: {  	s22 =	simm.s32 $0x6400;
	s23 =	simm.s32 $0x180;
	s24 =	simm.s32 $0x3400  }
0xa: {  	s25 =	simm.s32 $0x380;
	s26 =	simm.s32 $0x7400;
	s28 =	simm.s32 $0x1  }
0xb: {  	s29 =	simm.s32 $0x8430;
	s30 =	simm.s32 $0x0;
	[smem:$0x7FF] =	sst s1  }
0xc: {  	s3 =	sadd.s32 $0x1313400, s5;
	s6 =	sand.u32 $0x1, s2;
	s4 =	sadd.s32 $0xF42A00, s5  }
0xd: {  	s2 =	stileid.u32;
	s5 =	sadd.s32 $0x600, s5;
	_ =	strace $0x80000047  }
0xe: {  	s9 =	ssub.s32 $0x2, s6;
	s11 =	sshll.u32 s2, $0x7;
	s6 =	sshll.u32 s6, $0x6  }
0xf: {  	v0 =	vlaneseq.u32;
	s10 =	sshrl.u32 s9, $0x1;
	s31 =	sor.u32 s6, s11;
	s11 =	simm.s32 $0x200  }
0x10: {  	v0 =	vmul.u32 $0x20, v0;
	s9 =	ssub.s32 s9, s10;
	s6 =	sadd.s32 s0, s31;
	s7 =	sadd.s32 s7, s31  }
0x11: {  	s8 =	sadd.s32 s8, s31;
	s10 =	simm.s32 $0x2;
	s9 =	smax.u32 s9, $0x1  }
.LBB2_1:
0x12: {  	[tilespmem:s1], [sflag:$0x2] =	stream.linear.gather [hbm4b:s6+s1], $0x200, $0x38;
	[tilespmem:$0x8630] =	vst v63  }
0x13: {  	_ =	swait.ge [sflag:s10], $0x200  }
0x14: {  	[sflag:s10] =	ssyncset.done $0x0  }
0x15: {  	[sflag:s10] =	ssyncadd.s32 $0xFFFFFE00  }
0x16: {  	[tilespmem:s11], [sflag:$0x2] =	stream.linear.gather [hbm4b:s7+s1], $0x200, $0x38;
	[tilespmem:$0x8630] =	vst v63  }
0x17: {  	_ =	swait.ge [sflag:s10], $0x200  }
0x18: {  	[sflag:s10] =	ssyncset.done $0x0  }
0x19: {  	[sflag:s10] =	ssyncadd.s32 $0xFFFFFE00  }
0x1a: {  	[tilespmem:s12], [sflag:$0x2] =	stream.linear.gather [hbm4b:s5+s1], $0x30, $0x38;
	[tilespmem:$0x8630] =	vst v63  }
0x1b: {  	_ =	swait.ge [sflag:s10], $0x30  }
0x1c: {  	[sflag:s10] =	ssyncset.done $0x0  }
0x1d: {  	[sflag:s10] =	ssyncadd.s32 $0xFFFFFFD0  }
0x1e: {  	[tilespmem:s14], [sflag:$0x1] =	stream.indirect.gather [hbm4b:s3+s13], $0x20, s1, s13, $0xb8;
	[tilespmem:$0x8630] =	vst v63  }
0x1f: {  	_ = 	snop  }
0x20: {  	[tilespmem:s15], [sflag:$0x1] =	stream.indirect.gather [hbm4b:s4+s13], $0x20, s11, s13, $0xb8;
	[tilespmem:$0x8630] =	vst v63  }
0x21: {  	_ = 	snop  }
0x22: {  	[tilespmem:s16], [sflag:$0x1] =	stream.indirect.gather [hbm4b:s3+s13], $0x20, s13, s13, $0xb8;
	[tilespmem:$0x8630] =	vst v63  }
0x23: {  	_ = 	snop  }
0x24: {  	[tilespmem:s18], [sflag:$0x1] =	stream.indirect.gather [hbm4b:s4+s13], $0x20, s17, s13, $0xb8;
	[tilespmem:$0x8630] =	vst v63  }
0x25: {  	_ = 	snop  }
0x26: {  	[tilespmem:s20], [sflag:$0x1] =	stream.indirect.gather [hbm4b:s3+s13], $0x20, s19, s13, $0xb8;
	[tilespmem:$0x8630] =	vst v63  }
0x27: {  	_ = 	snop  }
0x28: {  	[tilespmem:s22], [sflag:$0x1] =	stream.indirect.gather [hbm4b:s4+s13], $0x20, s21, s13, $0xb8;
	[tilespmem:$0x8630] =	vst v63  }
0x29: {  	_ = 	snop  }
0x2a: {  	[tilespmem:s24], [sflag:$0x1] =	stream.indirect.gather [hbm4b:s3+s13], $0x20, s23, s13, $0xb8;
	[tilespmem:$0x8630] =	vst v63  }
0x2b: {  	_ = 	snop  }
0x2c: {  	[tilespmem:s26], [sflag:$0x1] =	stream.indirect.gather [hbm4b:s4+s13], $0x20, s25, s13, $0xb8;
	[tilespmem:$0x8630] =	vst v63  }
0x2d: {  	_ =	swait.ge [sflag:s28], $0x1000  }
0x2e: {  	[sflag:s28] =	ssyncset.done $0x0  }
0x2f: {  	[sflag:s28] =	ssyncadd.s32 $0xFFFFF000  }
0x30: {  	_ =	swait.ge [sflag:s28], $0x1000  }
0x31: {  	[sflag:s28] =	ssyncset.done $0x0  }
0x32: {  	[sflag:s28] =	ssyncadd.s32 $0xFFFFF000  }
0x33: {  	_ =	swait.ge [sflag:s28], $0x1000  }
0x34: {  	[sflag:s28] =	ssyncset.done $0x0  }
0x35: {  	[sflag:s28] =	ssyncadd.s32 $0xFFFFF000  }
0x36: {  	_ =	swait.ge [sflag:s28], $0x1000  }
0x37: {  	[sflag:s28] =	ssyncset.done $0x0  }
0x38: {  	[sflag:s28] =	ssyncadd.s32 $0xFFFFF000  }
0x39: {  	_ =	swait.ge [sflag:s28], $0x1000  }
0x3a: {  	[sflag:s28] =	ssyncset.done $0x0  }
0x3b: {  	[sflag:s28] =	ssyncadd.s32 $0xFFFFF000  }
0x3c: {  	_ =	swait.ge [sflag:s28], $0x1000  }
0x3d: {  	[sflag:s28] =	ssyncset.done $0x0  }
0x3e: {  	[sflag:s28] =	ssyncadd.s32 $0xFFFFF000  }
0x3f: {  	_ =	swait.ge [sflag:s28], $0x1000  }
0x40: {  	v1 =	vmov s1;
	[sflag:s28] =	ssyncset.done $0x0  }
0x41: {  	v1 =	vshll.u32 v1, $0x5;
	[sflag:s28] =	ssyncadd.s32 $0xFFFFF000  }
0x42: {  	v29 =	vor.u32 v0, v1;
	_ =	swait.ge [sflag:s28], $0x1000  }
0x43: {  	[sflag:s28] =	ssyncset.done $0x0  }
0x44: {  	v1 =	vor.u32 $0x1, v29;
	[sflag:s28] =	ssyncadd.s32 $0xFFFFF000  }
0x45: {  	v17 =	vld [tilespmem:$0x8400]  }
0x46: {  	v3 =	vor.u32 $0x2, v29;
	v2 =	vld [tilespmem:$0x8420]  }
0x47: {  	v4 =	vld.idx.msk [tilespmem:v29+s15+$0x0], $0xffff  }
0x48: {  	v7 =	vor.u32 $0x3, v29;
	v6 =	vld.idx.msk [tilespmem:v29+s14+$0x0], $0xffff  }
0x49: {  	v10 =	vor.u32 $0x4, v29;
	v8 =	vld.idx.msk [tilespmem:v1+s14+$0x0], $0xffff  }
0x4a: {  	v13 =	vor.u32 $0x5, v29;
	v9 =	vld.idx.msk [tilespmem:v1+s15+$0x0], $0xffff  }
0x4b: {  	v11 =	vld.idx.msk [tilespmem:v3+s14+$0x0], $0xffff  }
0x4c: {  	v12 =	vld.idx.msk [tilespmem:v3+s15+$0x0], $0xffff  }
0x4d: {  	v14 =	vld.idx.msk [tilespmem:v7+s14+$0x0], $0xffff  }
0x4e: {  	v15 =	vld.idx.msk [tilespmem:v10+s14+$0x0], $0xffff  }
0x4f: {  	v16 =	vld.idx.msk [tilespmem:v13+s14+$0x0], $0xffff  }
0x50: {  	v3 =	vmul.f32 v4, v6;
	v6 =	vld.idx.msk [tilespmem:v7+s15+$0x0], $0xffff;
	v7 =	vor.u32 $0x6, v29  }
0x51: {  	v13 =	vld.idx.msk [tilespmem:v13+s15+$0x0], $0xffff;
	v1 =	vadd.f32 $0.0e+00, v2;
	v5 =	vbroadcast v17, $0x0;
	v2 =	vbroadcast v17, $0x1  }
0x52: {  	v8 =	vmul.f32 v9, v8;
	v9 =	vld.idx.msk [tilespmem:v10+s15+$0x0], $0xffff;
	v10 =	vor.u32 $0x7, v29;
	v11 =	vmul.f32 v12, v11  }
0x53: {  	v12 =	vor.u32 $0x8, v29;
	v1 =	vbroadcast v1, $0x0;
	v4 =	vmul.f32 v3, v5;
	_ =	sdelay $0x1  }
0x54: {  	v3 =	vbroadcast v17, $0x2;
	v8 =	vmul.f32 v8, v2;
	v18 =	vadd.f32 v4, v1;
	v19 =	vld.idx.msk [tilespmem:v7+s14+$0x0], $0xffff  }
0x55: {  	v13 =	vmul.f32 v13, v16;
	v16 =	vor.u32 $0xB, v29;
	v4 =	vbroadcast v17, $0x3;
	v20 =	vld.idx.msk [tilespmem:v7+s15+$0x0], $0xffff  }
0x56: {  	v11 =	vmul.f32 v11, v3;
	v14 =	vmul.f32 v6, v14;
	v21 =	vld.idx.msk [tilespmem:v10+s14+$0x0], $0xffff;
	v8 =	vadd.f32 v8, v18  }
0x57: {  	v9 =	vmul.f32 v9, v15;
	v15 =	vld.idx.msk [tilespmem:v12+s14+$0x0], $0xffff;
	v18 =	vor.u32 $0x9, v29  }
0x58: {  	v6 =	vbroadcast v17, $0x4;
	v12 =	vld.idx.msk [tilespmem:v12+s15+$0x0], $0xffff;
	v8 =	vadd.f32 v11, v8;
	v11 =	vmul.f32 v14, v4  }
0x59: {  	v7 =	vbroadcast v17, $0x5;
	v10 =	vld.idx.msk [tilespmem:v10+s15+$0x0], $0xffff;
	v14 =	vor.u32 $0xA, v29  }
0x5a: {  	v24 =	vld.idx.msk [tilespmem:v16+s14+$0x0], $0xffff;
	v9 =	vmul.f32 v9, v6;
	v11 =	vadd.f32 v11, v8  }
0x5b: {  	v16 =	vld.idx.msk [tilespmem:v16+s15+$0x0], $0xffff;
	v13 =	vmul.f32 v13, v7;
	v8 =	vbroadcast v17, $0x6  }
0x5c: {  	v19 =	vmul.f32 v20, v19;
	v20 =	vor.u32 $0xC, v29;
	v22 =	vld.idx.msk [tilespmem:v18+s14+$0x0], $0xffff;
	v11 =	vadd.f32 v9, v11  }
0x5d: {  	v12 =	vmul.f32 v12, v15;
	v15 =	vor.u32 $0xE, v29;
	v18 =	vld.idx.msk [tilespmem:v18+s15+$0x0], $0xffff;
	v9 =	vbroadcast v17, $0x7  }
0x5e: {  	v23 =	vld.idx.msk [tilespmem:v14+s14+$0x0], $0xffff;
	v11 =	vadd.f32 v13, v11;
	v13 =	vmul.f32 v19, v8;
	v19 =	vmul.f32 v10, v21  }
0x5f: {  	v14 =	vld.idx.msk [tilespmem:v14+s15+$0x0], $0xffff;
	v10 =	vbroadcast v17, $0x8  }
0x60: {  	v33 =	vld [tilespmem:$0x8410];
	v21 =	vor.u32 $0xD, v29;
	v13 =	vadd.f32 v13, v11;
	v19 =	vmul.f32 v19, v9  }
0x61: {  	v16 =	vmul.f32 v16, v24;
	v24 =	vor.u32 $0x11, v29;
	v25 =	vld.idx.msk [tilespmem:v20+s14+$0x0], $0xffff;
	v11 =	vbroadcast v17, $0x9  }
0x62: {  	v20 =	vld.idx.msk [tilespmem:v20+s15+$0x0], $0xffff;
	v18 =	vmul.f32 v18, v22;
	v13 =	vadd.f32 v19, v13;
	v19 =	vmul.f32 v12, v10  }
0x63: {  	v27 =	vld.idx.msk [tilespmem:v15+s14+$0x0], $0xffff;
	v22 =	vor.u32 $0xF, v29;
	v12 =	vbroadcast v17, $0xA  }
0x64: {  	v28 =	vld.idx.msk [tilespmem:v15+s15+$0x0], $0xffff;
	v18 =	vmul.f32 v18, v11;
	v14 =	vmul.f32 v14, v23;
	v19 =	vadd.f32 v19, v13  }
0x65: {  	v23 =	vor.u32 $0x10, v29;
	v26 =	vld.idx.msk [tilespmem:v21+s14+$0x0], $0xffff  }
0x66: {  	v21 =	vld.idx.msk [tilespmem:v21+s15+$0x0], $0xffff;
	v13 =	vbroadcast v17, $0xB;
	v18 =	vadd.f32 v18, v19;
	v19 =	vmul.f32 v14, v12  }
0x67: {  	v31 =	vld.idx.msk [tilespmem:v24+s14+$0x0], $0xffff;
	v14 =	vbroadcast v17, $0xC  }
0x68: {  	v30 =	vld.idx.msk [tilespmem:v22+s14+$0x0], $0xffff;
	v16 =	vmul.f32 v16, v13;
	v18 =	vadd.f32 v19, v18;
	v19 =	vmul.f32 v20, v25  }
0x69: {  	v22 =	vld.idx.msk [tilespmem:v22+s15+$0x0], $0xffff;
	v20 =	vor.u32 $0x12, v29  }
0x6a: {  	v24 =	vld.idx.msk [tilespmem:v24+s15+$0x0], $0xffff;
	v18 =	vadd.f32 v16, v18;
	v19 =	vmul.f32 v19, v14  }
0x6b: {  	v15 =	vbroadcast v17, $0xD;
	v25 =	vld.idx.msk [tilespmem:v23+s14+$0x0], $0xffff;
	v21 =	vmul.f32 v21, v26;
	v26 =	vor.u32 $0x13, v29  }
0x6c: {  	v23 =	vld.idx.msk [tilespmem:v23+s15+$0x0], $0xffff;
	v16 =	vbroadcast v17, $0xE;
	v18 =	vadd.f32 v19, v18  }
0x6d: {  	v19 =	vmul.f32 v21, v15;
	v21 =	vmul.f32 v28, v27;
	v27 =	vor.u32 $0x14, v29  }
0x6e: {  	v17 =	vbroadcast v17, $0xF;
	v22 =	vmul.f32 v22, v30;
	v28 =	vld.idx.msk [tilespmem:v20+s14+$0x0], $0xffff  }
0x6f: {  	v30 =	vor.u32 $0x15, v29;
	v32 =	vld.idx.msk [tilespmem:v20+s15+$0x0], $0xffff;
	v19 =	vadd.f32 v19, v18;
	v21 =	vmul.f32 v21, v16  }
0x70: {  	v24 =	vmul.f32 v24, v31;
	v31 =	vor.u32 $0x17, v29;
	v34 =	vld.idx.msk [tilespmem:v26+s14+$0x0], $0xffff;
	v18 =	vbroadcast v33, $0x0  }
0x71: {  	v20 =	vadd.f32 v21, v19;
	v21 =	vmul.f32 v22, v17;
	v22 =	vmul.f32 v23, v25;
	v25 =	vld.idx.msk [tilespmem:v26+s15+$0x0], $0xffff  }
0x72: {  	v23 =	vor.u32 $0x16, v29;
	v26 =	vld.idx.msk [tilespmem:v27+s14+$0x0], $0xffff  }
0x73: {  	v19 =	vbroadcast v33, $0x1;
	v27 =	vld.idx.msk [tilespmem:v27+s15+$0x0], $0xffff;
	v21 =	vadd.f32 v21, v20;
	v22 =	vmul.f32 v22, v18  }
0x74: {  	v57 =	vor.u32 $0x18, v29;
	v35 =	vld.idx.msk [tilespmem:v30+s14+$0x0], $0xffff;
	v20 =	vbroadcast v33, $0x2  }
0x75: {  	v30 =	vld.idx.msk [tilespmem:v30+s15+$0x0], $0xffff;
	v24 =	vmul.f32 v24, v19;
	v28 =	vmul.f32 v32, v28;
	v22 =	vadd.f32 v22, v21  }
0x76: {  	v58 =	vor.u32 $0x19, v29;
	v38 =	vld.idx.msk [tilespmem:v31+s14+$0x0], $0xffff;
	v21 =	vbroadcast v33, $0x3  }
0x77: {  	v28 =	vmul.f32 v28, v20;
	v36 =	vld.idx.msk [tilespmem:v23+s14+$0x0], $0xffff;
	v25 =	vmul.f32 v25, v34;
	v24 =	vadd.f32 v24, v22  }
0x78: {  	v37 =	vld.idx.msk [tilespmem:v23+s15+$0x0], $0xffff;
	v22 =	vbroadcast v33, $0x4;
	v26 =	vmul.f32 v27, v26  }
0x79: {  	v32 =	vld.idx.msk [tilespmem:v57+s15+$0x0], $0xffff;
	v27 =	vor.u32 $0x1A, v29;
	v25 =	vmul.f32 v25, v21;
	v24 =	vadd.f32 v28, v24  }
0x7a: {  	v30 =	vmul.f32 v30, v35;
	v23 =	vbroadcast v33, $0x5;
	v28 =	vld.idx.msk [tilespmem:v31+s15+$0x0], $0xffff  }
0x7b: {  	v59 =	vor.u32 $0x1B, v29;
	v31 =	vld.idx.msk [tilespmem:v57+s14+$0x0], $0xffff;
	v26 =	vmul.f32 v26, v22;
	v25 =	vadd.f32 v25, v24  }
0x7c: {  	v60 =	vor.u32 $0x1C, v29;
	v39 =	vld.idx.msk [tilespmem:v58+s14+$0x0], $0xffff;
	v30 =	vmul.f32 v30, v23  }
0x7d: {  	v34 =	vld.idx.msk [tilespmem:v58+s15+$0x0], $0xffff;
	v24 =	vbroadcast v33, $0x6;
	v36 =	vmul.f32 v37, v36;
	v26 =	vadd.f32 v26, v25  }
0x7e: {  	v61 =	vor.u32 $0x1D, v29;
	v40 =	vld.idx.msk [tilespmem:v27+s14+$0x0], $0xffff;
	v25 =	vbroadcast v33, $0x7  }
0x7f: {  	v41 =	vld.idx.msk [tilespmem:v27+s15+$0x0], $0xffff;
	v36 =	vmul.f32 v36, v24;
	v28 =	vmul.f32 v28, v38;
	v30 =	vadd.f32 v30, v26  }
0x80: {  	v62 =	vor.u32 $0x1E, v29;
	v42 =	vld.idx.msk [tilespmem:v59+s14+$0x0], $0xffff;
	v31 =	vmul.f32 v32, v31  }
0x81: {  	v35 =	vld.idx.msk [tilespmem:v59+s15+$0x0], $0xffff;
	v26 =	vbroadcast v33, $0x8;
	v28 =	vmul.f32 v28, v25;
	v30 =	vadd.f32 v36, v30  }
0x82: {  	v63 =	vld.idx.msk [tilespmem:v60+s14+$0x0], $0xffff;
	v34 =	vmul.f32 v34, v39  }
0x83: {  	v43 =	vld.idx.msk [tilespmem:v61+s14+$0x0], $0xffff;
	v27 =	vbroadcast v33, $0x9;
	v31 =	vmul.f32 v31, v26;
	v30 =	vadd.f32 v28, v30  }
0x84: {  	v45 =	vor.u32 $0x1F, v29;
	v37 =	vld.idx.msk [tilespmem:v60+s15+$0x0], $0xffff;
	v46 =	vmul.f32 v41, v40  }
0x85: {  	v38 =	vld.idx.msk [tilespmem:v61+s15+$0x0], $0xffff;
	v28 =	vbroadcast v33, $0xA;
	v30 =	vadd.f32 v31, v30;
	v31 =	vmul.f32 v34, v27  }
0x86: {  	v47 =	vld.idx.msk [tilespmem:v62+s14+$0x0], $0xffff;
	v29 =	vbroadcast v33, $0xB;
	v35 =	vmul.f32 v35, v42  }
0x87: {  	v48 =	vld.idx.msk [tilespmem:v62+s15+$0x0], $0xffff;
	v34 =	vmul.f32 v46, v28;
	v31 =	vadd.f32 v31, v30  }
0x88: {  	v51 =	vmul.f32 v35, v29  }
0x89: {  	v49 =	vld.idx.msk [tilespmem:v45+s14+$0x0], $0xffff;
	v52 =	vmul.f32 v37, v63;
	v30 =	vbroadcast v33, $0xC;
	v50 =	vadd.f32 v34, v31  }
0x8a: {  	v53 =	vld.idx.msk [tilespmem:v45+s15+$0x0], $0xffff;
	v54 =	vmul.f32 v38, v43  }
0x8b: {  	v31 =	vbroadcast v33, $0xD;
	v35 =	vmul.f32 v52, v30;
	v34 =	vadd.f32 v51, v50  }
0x8c: {  	v56 =	vmul.f32 v48, v47;
	v32 =	vbroadcast v33, $0xE  }
0x8d: {  	s0 =	simm.s32 $0x10;
	v55 =	vmul.f32 v54, v31;
	v34 =	vadd.f32 v35, v34  }
0x8e: {  	v57 =	vmov s0;
	v37 =	vmul.f32 v56, v32  }
0x8f: {  	v36 =	vmul.f32 v53, v49;
	v33 =	vbroadcast v33, $0xF;
	v35 =	vadd.f32 v55, v34  }
0x90: {  	v58 =	vshll.u32 v57, $0x5  }
0x91: {  	v36 =	vmul.f32 v36, v33;
	v34 =	vor.u32 v0, v58;
	v35 =	vadd.f32 v37, v35;
	_ =	sdelay $0x1  }
0x92: {  	v59 =	vor.u32 $0x1, v34;
	v35 =	vadd.f32 v36, v35;
	_ =	sdelay $0x1  }
0x93: {  	v60 =	vor.u32 $0x2, v34;
	[tilespmem:s29+$0x0] =	vst v35  }
0x94: {  	v35 =	vld.idx.msk [tilespmem:v34+s15+$0x0], $0xffff  }
0x95: {  	v62 =	vor.u32 $0x3, v34;
	v61 =	vld.idx.msk [tilespmem:v34+s14+$0x0], $0xffff  }
0x96: {  	v63 =	vld.idx.msk [tilespmem:v59+s14+$0x0], $0xffff  }
0x97: {  	v48 =	vor.u32 $0x4, v34;
	v37 =	vld.idx.msk [tilespmem:v59+s15+$0x0], $0xffff  }
0x98: {  	v49 =	vld.idx.msk [tilespmem:v60+s14+$0x0], $0xffff  }
0x99: {  	v50 =	vor.u32 $0x5, v34;
	v36 =	vld.idx.msk [tilespmem:v60+s15+$0x0], $0xffff  }
0x9a: {  	v44 =	vld.idx.msk [tilespmem:v62+s14+$0x0], $0xffff  }
0x9b: {  	v52 =	vor.u32 $0x6, v34;
	v51 =	vld.idx.msk [tilespmem:v62+s15+$0x0], $0xffff  }
0x9c: {  	v45 =	vld.idx.msk [tilespmem:v48+s14+$0x0], $0xffff  }
0x9d: {  	v54 =	vor.u32 $0x7, v34;
	v53 =	vld.idx.msk [tilespmem:v48+s15+$0x0], $0xffff;
	v35 =	vmul.f32 v35, v61  }
0x9e: {  	v57 =	vor.u32 $0x9, v34;
	v46 =	vld.idx.msk [tilespmem:v50+s14+$0x0], $0xffff  }
0x9f: {  	v43 =	vld.idx.msk [tilespmem:v50+s15+$0x0], $0xffff;
	v37 =	vmul.f32 v37, v63;
	v35 =	vmul.f32 v35, v5  }
0xa0: {  	v55 =	vor.u32 $0x8, v34;
	v47 =	vld.idx.msk [tilespmem:v52+s14+$0x0], $0xffff  }
0xa1: {  	v39 =	vld.idx.msk [tilespmem:v52+s15+$0x0], $0xffff;
	v36 =	vmul.f32 v36, v49;
	v37 =	vmul.f32 v37, v2;
	v35 =	vadd.f32 v35, v1  }
0xa2: {  	v58 =	vld.idx.msk [tilespmem:v54+s14+$0x0], $0xffff  }
0xa3: {  	v50 =	vld.idx.msk [tilespmem:v57+s14+$0x0], $0xffff;
	v56 =	vmul.f32 v51, v44;
	v36 =	vmul.f32 v36, v3;
	v35 =	vadd.f32 v37, v35  }
0xa4: {  	v38 =	vld.idx.msk [tilespmem:v57+s15+$0x0], $0xffff;
	v57 =	vor.u32 $0xD, v34  }
0xa5: {  	v41 =	vld.idx.msk [tilespmem:v54+s15+$0x0], $0xffff;
	v60 =	vmul.f32 v53, v45;
	v59 =	vmul.f32 v56, v4;
	v35 =	vadd.f32 v36, v35  }
0xa6: {  	v62 =	vld.idx.msk [tilespmem:v55+s14+$0x0], $0xffff;
	v61 =	vor.u32 $0xA, v34  }
0xa7: {  	v42 =	vld.idx.msk [tilespmem:v55+s15+$0x0], $0xffff;
	v48 =	vmul.f32 v43, v46;
	v63 =	vmul.f32 v60, v6;
	v35 =	vadd.f32 v59, v35  }
0xa8: {  	v49 =	vor.u32 $0xB, v34  }
0xa9: {  	v52 =	vmul.f32 v39, v47;
	v51 =	vmul.f32 v48, v7;
	v35 =	vadd.f32 v63, v35  }
0xaa: {  	v53 =	vor.u32 $0xC, v34;
	v48 =	vmul.f32 v38, v50;
	v50 =	vld.idx.msk [tilespmem:v57+s14+$0x0], $0xffff  }
0xab: {  	v55 =	vmul.f32 v52, v8;
	v56 =	vmul.f32 v41, v58;
	v54 =	vld.idx.msk [tilespmem:v61+s14+$0x0], $0xffff;
	v35 =	vadd.f32 v51, v35  }
0xac: {  	v60 =	vmul.f32 v42, v62;
	v40 =	vld.idx.msk [tilespmem:v61+s15+$0x0], $0xffff  }
0xad: {  	v58 =	vld.idx.msk [tilespmem:v49+s14+$0x0], $0xffff;
	v61 =	vor.u32 $0xE, v34;
	v59 =	vmul.f32 v56, v9;
	v35 =	vadd.f32 v55, v35  }
0xae: {  	v43 =	vld.idx.msk [tilespmem:v49+s15+$0x0], $0xffff  }
0xaf: {  	v62 =	vld.idx.msk [tilespmem:v53+s14+$0x0], $0xffff;
	v49 =	vor.u32 $0xF, v34;
	v63 =	vmul.f32 v60, v10;
	v35 =	vadd.f32 v59, v35  }
0xb0: {  	v39 =	vld.idx.msk [tilespmem:v53+s15+$0x0], $0xffff;
	v53 =	vor.u32 $0x10, v34  }
0xb1: {  	v41 =	vld.idx.msk [tilespmem:v57+s15+$0x0], $0xffff;
	v52 =	vmul.f32 v40, v54;
	v51 =	vmul.f32 v48, v11;
	v35 =	vadd.f32 v63, v35  }
0xb2: {  	v57 =	vor.u32 $0x11, v34;
	v54 =	vld.idx.msk [tilespmem:v61+s14+$0x0], $0xffff  }
0xb3: {  	v56 =	vmul.f32 v43, v58;
	v42 =	vld.idx.msk [tilespmem:v61+s15+$0x0], $0xffff;
	v55 =	vmul.f32 v52, v12;
	v35 =	vadd.f32 v51, v35  }
0xb4: {  	v58 =	vld.idx.msk [tilespmem:v49+s14+$0x0], $0xffff;
	v61 =	vor.u32 $0x12, v34  }
0xb5: {  	v38 =	vld.idx.msk [tilespmem:v49+s15+$0x0], $0xffff;
	v60 =	vmul.f32 v39, v62;
	v59 =	vmul.f32 v56, v13;
	v35 =	vadd.f32 v55, v35  }
0xb6: {  	v49 =	vor.u32 $0x13, v34;
	v40 =	vld.idx.msk [tilespmem:v53+s15+$0x0], $0xffff  }
0xb7: {  	v43 =	vld.idx.msk [tilespmem:v57+s15+$0x0], $0xffff;
	v48 =	vmul.f32 v41, v50;
	v63 =	vmul.f32 v60, v14;
	v35 =	vadd.f32 v59, v35  }
0xb8: {  	v62 =	vld.idx.msk [tilespmem:v53+s14+$0x0], $0xffff;
	v53 =	vor.u32 $0x14, v34  }
0xb9: {  	v50 =	vld.idx.msk [tilespmem:v57+s14+$0x0], $0xffff;
	v52 =	vmul.f32 v42, v54;
	v51 =	vmul.f32 v48, v15;
	v35 =	vadd.f32 v63, v35  }
0xba: {  	v57 =	vor.u32 $0x15, v34;
	v39 =	vld.idx.msk [tilespmem:v61+s15+$0x0], $0xffff  }
0xbb: {  	v41 =	vld.idx.msk [tilespmem:v49+s15+$0x0], $0xffff;
	v56 =	vmul.f32 v38, v58;
	v55 =	vmul.f32 v52, v16;
	v35 =	vadd.f32 v51, v35  }
0xbc: {  	v54 =	vld.idx.msk [tilespmem:v61+s14+$0x0], $0xffff;
	v61 =	vor.u32 $0x16, v34  }
0xbd: {  	v42 =	vld.idx.msk [tilespmem:v53+s15+$0x0], $0xffff;
	v60 =	vmul.f32 v40, v62;
	v59 =	vmul.f32 v56, v17;
	v35 =	vadd.f32 v55, v35  }
0xbe: {  	v58 =	vld.idx.msk [tilespmem:v49+s14+$0x0], $0xffff;
	v49 =	vor.u32 $0x17, v34  }
0xbf: {  	v38 =	vld.idx.msk [tilespmem:v57+s15+$0x0], $0xffff;
	v48 =	vmul.f32 v43, v50;
	v63 =	vmul.f32 v60, v18;
	v35 =	vadd.f32 v59, v35  }
0xc0: {  	v62 =	vld.idx.msk [tilespmem:v53+s14+$0x0], $0xffff;
	v53 =	vor.u32 $0x18, v34  }
0xc1: {  	v40 =	vld.idx.msk [tilespmem:v61+s15+$0x0], $0xffff;
	v52 =	vmul.f32 v39, v54;
	v51 =	vmul.f32 v48, v19;
	v35 =	vadd.f32 v63, v35  }
0xc2: {  	v50 =	vld.idx.msk [tilespmem:v57+s14+$0x0], $0xffff;
	v57 =	vor.u32 $0x19, v34  }
0xc3: {  	v43 =	vld.idx.msk [tilespmem:v49+s15+$0x0], $0xffff;
	v56 =	vmul.f32 v41, v58;
	v55 =	vmul.f32 v52, v20;
	v35 =	vadd.f32 v51, v35  }
0xc4: {  	v54 =	vld.idx.msk [tilespmem:v61+s14+$0x0], $0xffff;
	v61 =	vor.u32 $0x1A, v34  }
0xc5: {  	v39 =	vld.idx.msk [tilespmem:v53+s15+$0x0], $0xffff;
	v60 =	vmul.f32 v42, v62;
	v59 =	vmul.f32 v56, v21;
	v35 =	vadd.f32 v55, v35  }
0xc6: {  	v58 =	vld.idx.msk [tilespmem:v49+s14+$0x0], $0xffff;
	v49 =	vor.u32 $0x1B, v34  }
0xc7: {  	v41 =	vld.idx.msk [tilespmem:v57+s15+$0x0], $0xffff;
	v48 =	vmul.f32 v38, v50;
	v63 =	vmul.f32 v60, v22;
	v35 =	vadd.f32 v59, v35  }
0xc8: {  	v62 =	vld.idx.msk [tilespmem:v53+s14+$0x0], $0xffff;
	v53 =	vor.u32 $0x1C, v34  }
0xc9: {  	v42 =	vld.idx.msk [tilespmem:v61+s15+$0x0], $0xffff;
	v52 =	vmul.f32 v40, v54;
	v51 =	vmul.f32 v48, v23;
	v35 =	vadd.f32 v63, v35  }
0xca: {  	v50 =	vld.idx.msk [tilespmem:v57+s14+$0x0], $0xffff;
	v57 =	vor.u32 $0x1D, v34  }
0xcb: {  	v38 =	vld.idx.msk [tilespmem:v49+s15+$0x0], $0xffff;
	v56 =	vmul.f32 v43, v58;
	v55 =	vmul.f32 v52, v24;
	v35 =	vadd.f32 v51, v35  }
0xcc: {  	v54 =	vld.idx.msk [tilespmem:v61+s14+$0x0], $0xffff;
	v61 =	vor.u32 $0x1E, v34  }
0xcd: {  	v40 =	vld.idx.msk [tilespmem:v53+s15+$0x0], $0xffff;
	v60 =	vmul.f32 v39, v62;
	v59 =	vmul.f32 v56, v25;
	v35 =	vadd.f32 v55, v35  }
0xce: {  	v34 =	vor.u32 $0x1F, v34;
	v58 =	vld.idx.msk [tilespmem:v49+s14+$0x0], $0xffff  }
0xcf: {  	v49 =	vld.idx.msk [tilespmem:v57+s14+$0x0], $0xffff;
	v48 =	vmul.f32 v41, v50;
	v63 =	vmul.f32 v60, v26;
	v35 =	vadd.f32 v59, v35  }
0xd0: {  	v62 =	vld.idx.msk [tilespmem:v53+s14+$0x0], $0xffff  }
0xd1: {  	v39 =	vld.idx.msk [tilespmem:v61+s15+$0x0], $0xffff;
	v50 =	vmul.f32 v48, v27;
	v51 =	vmul.f32 v42, v54;
	v35 =	vadd.f32 v63, v35  }
0xd2: {  	v52 =	vld.idx.msk [tilespmem:v57+s15+$0x0], $0xffff  }
0xd3: {  	v54 =	vmul.f32 v38, v58;
	v58 =	vld.idx.msk [tilespmem:v34+s14+$0x0], $0xffff;
	v53 =	vmul.f32 v51, v28;
	v35 =	vadd.f32 v50, v35  }
0xd4: {  	v55 =	vld.idx.msk [tilespmem:v61+s14+$0x0], $0xffff  }
0xd5: {  	v57 =	vmul.f32 v40, v62;
	v34 =	vld.idx.msk [tilespmem:v34+s15+$0x0], $0xffff;
	v56 =	vmul.f32 v54, v29;
	v35 =	vadd.f32 v53, v35;
	_ =	sdelay $0x1  }
0xd6: {  	v60 =	vmul.f32 v52, v49;
	v59 =	vmul.f32 v57, v30;
	v35 =	vadd.f32 v56, v35;
	_ =	sdelay $0x1  }
0xd7: {  	v61 =	vmul.f32 v60, v31;
	v62 =	vmul.f32 v39, v55;
	v35 =	vadd.f32 v59, v35  }
0xd8: {  	s0 =	simm.s32 $0x20;
	v37 =	vmul.f32 v34, v58  }
0xd9: {  	v63 =	vmov s0;
	v36 =	vmul.f32 v62, v32;
	v35 =	vadd.f32 v61, v35  }
0xda: {  	s31 =	simm.s32 $0x8430;
	s0 =	simm.s32 $0x30;
	v34 =	vshll.u32 v63, $0x5  }
.LBB2_2:
0xdb: {  	p0 =	sne.s32 s0, $0x1F0;
	v34 =	vor.u32 v0, v34;
	v35 =	vadd.f32 v36, v35;
	v36 =	vmul.f32 v37, v33;
	_ =	sdelay $0x1  }
0xdc: {  	v37 =	vor.u32 $0x1, v34;
	v35 =	vadd.f32 v36, v35  }
0xdd: {  	s31 =	sadd.s32 $0x10, s31  }
0xde: {  	v36 =	vor.u32 $0x2, v34;
	[tilespmem:s31+$0x0] =	vst v35  }
0xdf: {  	v35 =	vld.idx.msk [tilespmem:v34+s15+$0x0], $0xffff  }
0xe0: {  	v39 =	vor.u32 $0x3, v34;
	v38 =	vld.idx.msk [tilespmem:v34+s14+$0x0], $0xffff  }
0xe1: {  	v40 =	vld.idx.msk [tilespmem:v37+s14+$0x0], $0xffff  }
0xe2: {  	v41 =	vor.u32 $0x4, v34;
	v37 =	vld.idx.msk [tilespmem:v37+s15+$0x0], $0xffff  }
0xe3: {  	v42 =	vld.idx.msk [tilespmem:v36+s14+$0x0], $0xffff  }
0xe4: {  	v43 =	vor.u32 $0x5, v34;
	v36 =	vld.idx.msk [tilespmem:v36+s15+$0x0], $0xffff  }
0xe5: {  	v44 =	vld.idx.msk [tilespmem:v39+s14+$0x0], $0xffff  }
0xe6: {  	v35 =	vmul.f32 v35, v38;
	v38 =	vld.idx.msk [tilespmem:v39+s15+$0x0], $0xffff;
	v39 =	vor.u32 $0x6, v34  }
0xe7: {  	v45 =	vld.idx.msk [tilespmem:v41+s14+$0x0], $0xffff  }
0xe8: {  	v35 =	vmul.f32 v35, v5;
	v37 =	vmul.f32 v37, v40;
	v40 =	vld.idx.msk [tilespmem:v41+s15+$0x0], $0xffff;
	v41 =	vor.u32 $0x7, v34  }
0xe9: {  	v47 =	vor.u32 $0x8, v34;
	v46 =	vld.idx.msk [tilespmem:v43+s14+$0x0], $0xffff  }
0xea: {  	v35 =	vadd.f32 v35, v1;
	v37 =	vmul.f32 v37, v2;
	v36 =	vmul.f32 v36, v42;
	v42 =	vld.idx.msk [tilespmem:v43+s15+$0x0], $0xffff  }
0xeb: {  	v48 =	vor.u32 $0x9, v34;
	v43 =	vld.idx.msk [tilespmem:v39+s14+$0x0], $0xffff  }
0xec: {  	v35 =	vadd.f32 v37, v35;
	v36 =	vmul.f32 v36, v3;
	v37 =	vmul.f32 v38, v44;
	v38 =	vld.idx.msk [tilespmem:v39+s15+$0x0], $0xffff  }
0xed: {  	v44 =	vor.u32 $0xA, v34;
	v39 =	vld.idx.msk [tilespmem:v41+s14+$0x0], $0xffff  }
0xee: {  	v35 =	vadd.f32 v36, v35;
	v36 =	vmul.f32 v37, v4;
	v37 =	vmul.f32 v40, v45;
	v40 =	vld.idx.msk [tilespmem:v41+s15+$0x0], $0xffff  }
0xef: {  	v45 =	vor.u32 $0xB, v34;
	v41 =	vld.idx.msk [tilespmem:v47+s14+$0x0], $0xffff  }
0xf0: {  	v35 =	vadd.f32 v36, v35;
	v36 =	vmul.f32 v37, v6;
	v37 =	vmul.f32 v42, v46;
	v42 =	vld.idx.msk [tilespmem:v47+s15+$0x0], $0xffff  }
0xf1: {  	v47 =	vor.u32 $0xC, v34;
	v46 =	vld.idx.msk [tilespmem:v48+s14+$0x0], $0xffff  }
0xf2: {  	v35 =	vadd.f32 v36, v35;
	v36 =	vmul.f32 v37, v7;
	v37 =	vmul.f32 v38, v43;
	v38 =	vld.idx.msk [tilespmem:v48+s15+$0x0], $0xffff  }
0xf3: {  	v48 =	vor.u32 $0xD, v34;
	v43 =	vld.idx.msk [tilespmem:v44+s14+$0x0], $0xffff  }
0xf4: {  	v35 =	vadd.f32 v36, v35;
	v36 =	vmul.f32 v37, v8;
	v37 =	vmul.f32 v40, v39;
	v39 =	vld.idx.msk [tilespmem:v44+s15+$0x0], $0xffff  }
0xf5: {  	v44 =	vor.u32 $0xE, v34;
	v40 =	vld.idx.msk [tilespmem:v45+s14+$0x0], $0xffff  }
0xf6: {  	v35 =	vadd.f32 v36, v35;
	v36 =	vmul.f32 v37, v9;
	v37 =	vmul.f32 v42, v41;
	v41 =	vld.idx.msk [tilespmem:v45+s15+$0x0], $0xffff  }
0xf7: {  	v45 =	vor.u32 $0xF, v34;
	v42 =	vld.idx.msk [tilespmem:v47+s14+$0x0], $0xffff  }
0xf8: {  	v35 =	vadd.f32 v36, v35;
	v36 =	vmul.f32 v37, v10;
	v37 =	vmul.f32 v38, v46;
	v38 =	vld.idx.msk [tilespmem:v47+s15+$0x0], $0xffff  }
0xf9: {  	v47 =	vor.u32 $0x10, v34;
	v46 =	vld.idx.msk [tilespmem:v48+s14+$0x0], $0xffff  }
0xfa: {  	v35 =	vadd.f32 v36, v35;
	v36 =	vmul.f32 v37, v11;
	v37 =	vmul.f32 v39, v43;
	v39 =	vld.idx.msk [tilespmem:v48+s15+$0x0], $0xffff  }
0xfb: {  	v48 =	vor.u32 $0x11, v34;
	v43 =	vld.idx.msk [tilespmem:v44+s14+$0x0], $0xffff  }
0xfc: {  	v35 =	vadd.f32 v36, v35;
	v36 =	vmul.f32 v37, v12;
	v37 =	vmul.f32 v41, v40;
	v40 =	vld.idx.msk [tilespmem:v44+s15+$0x0], $0xffff  }
0xfd: {  	v44 =	vor.u32 $0x12, v34;
	v41 =	vld.idx.msk [tilespmem:v45+s14+$0x0], $0xffff  }
0xfe: {  	v35 =	vadd.f32 v36, v35;
	v36 =	vmul.f32 v37, v13;
	v37 =	vmul.f32 v38, v42;
	v38 =	vld.idx.msk [tilespmem:v45+s15+$0x0], $0xffff  }
0xff: {  	v45 =	vor.u32 $0x13, v34;
	v42 =	vld.idx.msk [tilespmem:v47+s14+$0x0], $0xffff  }
0x100: {  	v35 =	vadd.f32 v36, v35;
	v36 =	vmul.f32 v37, v14;
	v37 =	vmul.f32 v39, v46;
	v39 =	vld.idx.msk [tilespmem:v47+s15+$0x0], $0xffff  }
0x101: {  	v47 =	vor.u32 $0x14, v34;
	v46 =	vld.idx.msk [tilespmem:v48+s14+$0x0], $0xffff  }
0x102: {  	v35 =	vadd.f32 v36, v35;
	v36 =	vmul.f32 v37, v15;
	v37 =	vmul.f32 v40, v43;
	v40 =	vld.idx.msk [tilespmem:v48+s15+$0x0], $0xffff  }
0x103: {  	v48 =	vor.u32 $0x15, v34;
	v43 =	vld.idx.msk [tilespmem:v44+s14+$0x0], $0xffff  }
0x104: {  	v35 =	vadd.f32 v36, v35;
	v36 =	vmul.f32 v37, v16;
	v37 =	vmul.f32 v38, v41;
	v38 =	vld.idx.msk [tilespmem:v44+s15+$0x0], $0xffff  }
0x105: {  	v44 =	vor.u32 $0x16, v34;
	v41 =	vld.idx.msk [tilespmem:v45+s14+$0x0], $0xffff  }
0x106: {  	v35 =	vadd.f32 v36, v35;
	v36 =	vmul.f32 v37, v17;
	v37 =	vmul.f32 v39, v42;
	v39 =	vld.idx.msk [tilespmem:v45+s15+$0x0], $0xffff  }
0x107: {  	v45 =	vor.u32 $0x17, v34;
	v42 =	vld.idx.msk [tilespmem:v47+s14+$0x0], $0xffff  }
0x108: {  	v35 =	vadd.f32 v36, v35;
	v36 =	vmul.f32 v37, v18;
	v37 =	vmul.f32 v40, v46;
	v40 =	vld.idx.msk [tilespmem:v47+s15+$0x0], $0xffff  }
0x109: {  	v47 =	vor.u32 $0x18, v34;
	v46 =	vld.idx.msk [tilespmem:v48+s14+$0x0], $0xffff  }
0x10a: {  	v35 =	vadd.f32 v36, v35;
	v36 =	vmul.f32 v37, v19;
	v37 =	vmul.f32 v38, v43;
	v38 =	vld.idx.msk [tilespmem:v48+s15+$0x0], $0xffff  }
0x10b: {  	v48 =	vor.u32 $0x19, v34;
	v43 =	vld.idx.msk [tilespmem:v44+s14+$0x0], $0xffff  }
0x10c: {  	v35 =	vadd.f32 v36, v35;
	v36 =	vmul.f32 v37, v20;
	v37 =	vmul.f32 v39, v41;
	v39 =	vld.idx.msk [tilespmem:v44+s15+$0x0], $0xffff  }
0x10d: {  	v44 =	vor.u32 $0x1A, v34;
	v41 =	vld.idx.msk [tilespmem:v45+s14+$0x0], $0xffff  }
0x10e: {  	v35 =	vadd.f32 v36, v35;
	v36 =	vmul.f32 v37, v21;
	v37 =	vmul.f32 v40, v42;
	v40 =	vld.idx.msk [tilespmem:v45+s15+$0x0], $0xffff  }
0x10f: {  	v45 =	vor.u32 $0x1B, v34;
	v42 =	vld.idx.msk [tilespmem:v47+s14+$0x0], $0xffff  }
0x110: {  	v35 =	vadd.f32 v36, v35;
	v36 =	vmul.f32 v37, v22;
	v37 =	vmul.f32 v38, v46;
	v38 =	vld.idx.msk [tilespmem:v47+s15+$0x0], $0xffff  }
0x111: {  	v47 =	vor.u32 $0x1C, v34;
	v46 =	vld.idx.msk [tilespmem:v48+s14+$0x0], $0xffff  }
0x112: {  	v35 =	vadd.f32 v36, v35;
	v36 =	vmul.f32 v37, v23;
	v37 =	vmul.f32 v39, v43;
	v39 =	vld.idx.msk [tilespmem:v48+s15+$0x0], $0xffff  }
0x113: {  	v48 =	vor.u32 $0x1D, v34;
	v43 =	vld.idx.msk [tilespmem:v44+s14+$0x0], $0xffff  }
0x114: {  	v35 =	vadd.f32 v36, v35;
	v36 =	vmul.f32 v37, v24;
	v37 =	vmul.f32 v40, v41;
	v40 =	vld.idx.msk [tilespmem:v44+s15+$0x0], $0xffff  }
0x115: {  	v44 =	vor.u32 $0x1E, v34;
	v41 =	vld.idx.msk [tilespmem:v45+s14+$0x0], $0xffff  }
0x116: {  	v35 =	vadd.f32 v36, v35;
	v36 =	vmul.f32 v37, v25;
	v37 =	vmul.f32 v38, v42;
	v38 =	vld.idx.msk [tilespmem:v45+s15+$0x0], $0xffff  }
0x117: {  	v34 =	vor.u32 $0x1F, v34;
	v42 =	vld.idx.msk [tilespmem:v47+s14+$0x0], $0xffff  }
0x118: {  	v35 =	vadd.f32 v36, v35;
	v36 =	vmul.f32 v37, v26;
	v37 =	vmul.f32 v39, v46;
	v39 =	vld.idx.msk [tilespmem:v47+s15+$0x0], $0xffff  }
0x119: {  	v45 =	vld.idx.msk [tilespmem:v48+s14+$0x0], $0xffff  }
0x11a: {  	v35 =	vadd.f32 v36, v35;
	v36 =	vmul.f32 v37, v27;
	v37 =	vmul.f32 v40, v43;
	v40 =	vld.idx.msk [tilespmem:v48+s15+$0x0], $0xffff  }
0x11b: {  	v43 =	vld.idx.msk [tilespmem:v44+s14+$0x0], $0xffff  }
0x11c: {  	v35 =	vadd.f32 v36, v35;
	v36 =	vmul.f32 v37, v28;
	v37 =	vmul.f32 v38, v41;
	v38 =	vld.idx.msk [tilespmem:v44+s15+$0x0], $0xffff  }
0x11d: {  	v41 =	vld.idx.msk [tilespmem:v34+s14+$0x0], $0xffff  }
0x11e: {  	v35 =	vadd.f32 v36, v35;
	v36 =	vmul.f32 v37, v29;
	v37 =	vmul.f32 v39, v42;
	v34 =	vld.idx.msk [tilespmem:v34+s15+$0x0], $0xffff;
	_ =	sdelay $0x1  }
0x11f: {  	v35 =	vadd.f32 v36, v35;
	v36 =	vmul.f32 v37, v30;
	v37 =	vmul.f32 v40, v45  }
.Ltmp0:
0x120: {  	(pc) =	sbr.rel @p0 .LBB2_2-.Ltmp0, $4  }
0x121: {  	v35 =	vadd.f32 v36, v35;
	v36 =	vmul.f32 v37, v31;
	v37 =	vmul.f32 v38, v43  }
0x122: {  	v38 =	vmov s0  }
0x123: {  	v35 =	vadd.f32 v36, v35;
	v36 =	vmul.f32 v37, v32;
	v37 =	vmul.f32 v34, v41  }
0x124: {  	s0 =	sadd.s32 $0x10, s0;
	v34 =	vshll.u32 v38, $0x5  }
0x125: {  	v34 =	vor.u32 v0, v34;
	v35 =	vadd.f32 v36, v35;
	v48 =	vmul.f32 v37, v33;
	_ =	sdelay $0x1  }
0x126: {  	v49 =	vor.u32 $0x1, v34;
	v35 =	vadd.f32 v48, v35  }
0x127: {  	s0 =	sadd.s32 $0x10, s31  }
0x128: {  	v50 =	vor.u32 $0x2, v34;
	[tilespmem:s0+$0x0] =	vst v35  }
0x129: {  	v35 =	vld.idx.msk [tilespmem:v34+s15+$0x0], $0xffff  }
0x12a: {  	v39 =	vor.u32 $0x3, v34;
	v38 =	vld.idx.msk [tilespmem:v34+s14+$0x0], $0xffff  }
0x12b: {  	v40 =	vld.idx.msk [tilespmem:v49+s14+$0x0], $0xffff  }
0x12c: {  	v41 =	vor.u32 $0x4, v34;
	v37 =	vld.idx.msk [tilespmem:v49+s15+$0x0], $0xffff  }
0x12d: {  	v42 =	vld.idx.msk [tilespmem:v50+s14+$0x0], $0xffff  }
0x12e: {  	v43 =	vor.u32 $0x5, v34;
	v36 =	vld.idx.msk [tilespmem:v50+s15+$0x0], $0xffff  }
0x12f: {  	v44 =	vld.idx.msk [tilespmem:v39+s14+$0x0], $0xffff;
	v35 =	vmul.f32 v35, v38  }
0x130: {  	v52 =	vor.u32 $0x6, v34;
	v51 =	vld.idx.msk [tilespmem:v39+s15+$0x0], $0xffff  }
0x131: {  	v45 =	vld.idx.msk [tilespmem:v41+s14+$0x0], $0xffff;
	v53 =	vmul.f32 v37, v40;
	v5 =	vmul.f32 v35, v5  }
0x132: {  	v55 =	vor.u32 $0x7, v34;
	v54 =	vld.idx.msk [tilespmem:v41+s15+$0x0], $0xffff  }
0x133: {  	v56 =	vld.idx.msk [tilespmem:v43+s14+$0x0], $0xffff;
	v57 =	vmul.f32 v36, v42;
	v2 =	vmul.f32 v53, v2;
	v1 =	vadd.f32 v5, v1  }
0x134: {  	v58 =	vor.u32 $0x8, v34;
	v59 =	vld.idx.msk [tilespmem:v43+s15+$0x0], $0xffff  }
0x135: {  	v60 =	vld.idx.msk [tilespmem:v52+s14+$0x0], $0xffff;
	v1 =	vadd.f32 v2, v1;
	v2 =	vmul.f32 v57, v3;
	v3 =	vmul.f32 v51, v44  }
0x136: {  	v61 =	vor.u32 $0x9, v34;
	v62 =	vld.idx.msk [tilespmem:v52+s15+$0x0], $0xffff  }
0x137: {  	v63 =	vld.idx.msk [tilespmem:v55+s14+$0x0], $0xffff;
	v1 =	vadd.f32 v2, v1;
	v2 =	vmul.f32 v3, v4;
	v3 =	vmul.f32 v54, v45  }
0x138: {  	v44 =	vor.u32 $0xA, v34;
	v45 =	vld.idx.msk [tilespmem:v55+s15+$0x0], $0xffff  }
0x139: {  	v46 =	vld.idx.msk [tilespmem:v58+s14+$0x0], $0xffff;
	v1 =	vadd.f32 v2, v1;
	v2 =	vmul.f32 v3, v6;
	v3 =	vmul.f32 v59, v56  }
0x13a: {  	v47 =	vor.u32 $0xB, v34;
	v35 =	vld.idx.msk [tilespmem:v58+s15+$0x0], $0xffff  }
0x13b: {  	v48 =	vld.idx.msk [tilespmem:v61+s14+$0x0], $0xffff;
	v1 =	vadd.f32 v2, v1;
	v2 =	vmul.f32 v3, v7;
	v3 =	vmul.f32 v62, v60  }
0x13c: {  	v49 =	vor.u32 $0xC, v34;
	v5 =	vld.idx.msk [tilespmem:v61+s15+$0x0], $0xffff  }
0x13d: {  	v50 =	vld.idx.msk [tilespmem:v44+s14+$0x0], $0xffff;
	v1 =	vadd.f32 v2, v1;
	v2 =	vmul.f32 v3, v8;
	v3 =	vmul.f32 v45, v63  }
0x13e: {  	v51 =	vor.u32 $0xD, v34;
	v4 =	vld.idx.msk [tilespmem:v44+s15+$0x0], $0xffff  }
0x13f: {  	v52 =	vld.idx.msk [tilespmem:v47+s14+$0x0], $0xffff;
	v1 =	vadd.f32 v2, v1;
	v2 =	vmul.f32 v3, v9;
	v3 =	vmul.f32 v35, v46  }
0x140: {  	v53 =	vor.u32 $0xE, v34;
	v6 =	vld.idx.msk [tilespmem:v47+s15+$0x0], $0xffff  }
0x141: {  	v54 =	vld.idx.msk [tilespmem:v49+s14+$0x0], $0xffff;
	v1 =	vadd.f32 v2, v1;
	v2 =	vmul.f32 v3, v10;
	v3 =	vmul.f32 v5, v48  }
0x142: {  	v55 =	vor.u32 $0xF, v34;
	v7 =	vld.idx.msk [tilespmem:v49+s15+$0x0], $0xffff  }
0x143: {  	v56 =	vld.idx.msk [tilespmem:v51+s14+$0x0], $0xffff;
	v1 =	vadd.f32 v2, v1;
	v2 =	vmul.f32 v3, v11;
	v3 =	vmul.f32 v4, v50  }
0x144: {  	v57 =	vor.u32 $0x10, v34;
	v8 =	vld.idx.msk [tilespmem:v51+s15+$0x0], $0xffff  }
0x145: {  	v58 =	vld.idx.msk [tilespmem:v53+s14+$0x0], $0xffff;
	v1 =	vadd.f32 v2, v1;
	v2 =	vmul.f32 v3, v12;
	v3 =	vmul.f32 v6, v52  }
0x146: {  	v59 =	vor.u32 $0x11, v34;
	v9 =	vld.idx.msk [tilespmem:v53+s15+$0x0], $0xffff  }
0x147: {  	v60 =	vld.idx.msk [tilespmem:v55+s14+$0x0], $0xffff;
	v1 =	vadd.f32 v2, v1;
	v2 =	vmul.f32 v3, v13;
	v3 =	vmul.f32 v7, v54  }
0x148: {  	v61 =	vor.u32 $0x12, v34;
	v5 =	vld.idx.msk [tilespmem:v55+s15+$0x0], $0xffff  }
0x149: {  	v62 =	vld.idx.msk [tilespmem:v57+s14+$0x0], $0xffff;
	v1 =	vadd.f32 v2, v1;
	v2 =	vmul.f32 v3, v14;
	v3 =	vmul.f32 v8, v56  }
0x14a: {  	v63 =	vor.u32 $0x13, v34;
	v4 =	vld.idx.msk [tilespmem:v57+s15+$0x0], $0xffff  }
0x14b: {  	v35 =	vld.idx.msk [tilespmem:v59+s14+$0x0], $0xffff;
	v1 =	vadd.f32 v2, v1;
	v2 =	vmul.f32 v3, v15;
	v3 =	vmul.f32 v9, v58  }
0x14c: {  	v36 =	vor.u32 $0x14, v34;
	v6 =	vld.idx.msk [tilespmem:v59+s15+$0x0], $0xffff  }
0x14d: {  	v37 =	vld.idx.msk [tilespmem:v61+s14+$0x0], $0xffff;
	v1 =	vadd.f32 v2, v1;
	v2 =	vmul.f32 v3, v16;
	v3 =	vmul.f32 v5, v60  }
0x14e: {  	v38 =	vor.u32 $0x15, v34;
	v7 =	vld.idx.msk [tilespmem:v61+s15+$0x0], $0xffff  }
0x14f: {  	v39 =	vld.idx.msk [tilespmem:v63+s14+$0x0], $0xffff;
	v1 =	vadd.f32 v2, v1;
	v2 =	vmul.f32 v3, v17;
	v3 =	vmul.f32 v4, v62  }
0x150: {  	v40 =	vor.u32 $0x16, v34;
	v8 =	vld.idx.msk [tilespmem:v63+s15+$0x0], $0xffff  }
0x151: {  	v41 =	vld.idx.msk [tilespmem:v36+s14+$0x0], $0xffff;
	v1 =	vadd.f32 v2, v1;
	v2 =	vmul.f32 v3, v18;
	v3 =	vmul.f32 v6, v35  }
0x152: {  	v42 =	vor.u32 $0x17, v34;
	v9 =	vld.idx.msk [tilespmem:v36+s15+$0x0], $0xffff  }
0x153: {  	v43 =	vld.idx.msk [tilespmem:v38+s14+$0x0], $0xffff;
	v1 =	vadd.f32 v2, v1;
	v2 =	vmul.f32 v3, v19;
	v3 =	vmul.f32 v7, v37  }
0x154: {  	v44 =	vor.u32 $0x18, v34;
	v5 =	vld.idx.msk [tilespmem:v38+s15+$0x0], $0xffff  }
0x155: {  	v45 =	vld.idx.msk [tilespmem:v40+s14+$0x0], $0xffff;
	v1 =	vadd.f32 v2, v1;
	v2 =	vmul.f32 v3, v20;
	v3 =	vmul.f32 v8, v39  }
0x156: {  	v46 =	vor.u32 $0x19, v34;
	v4 =	vld.idx.msk [tilespmem:v40+s15+$0x0], $0xffff  }
0x157: {  	v47 =	vld.idx.msk [tilespmem:v42+s14+$0x0], $0xffff;
	v1 =	vadd.f32 v2, v1;
	v2 =	vmul.f32 v3, v21;
	v3 =	vmul.f32 v9, v41  }
0x158: {  	v48 =	vor.u32 $0x1A, v34;
	v6 =	vld.idx.msk [tilespmem:v42+s15+$0x0], $0xffff  }
0x159: {  	v49 =	vld.idx.msk [tilespmem:v44+s14+$0x0], $0xffff;
	v1 =	vadd.f32 v2, v1;
	v2 =	vmul.f32 v3, v22;
	v3 =	vmul.f32 v5, v43  }
0x15a: {  	v50 =	vor.u32 $0x1B, v34;
	v7 =	vld.idx.msk [tilespmem:v44+s15+$0x0], $0xffff  }
0x15b: {  	v51 =	vld.idx.msk [tilespmem:v46+s14+$0x0], $0xffff;
	v1 =	vadd.f32 v2, v1;
	v2 =	vmul.f32 v3, v23;
	v3 =	vmul.f32 v4, v45  }
0x15c: {  	v52 =	vor.u32 $0x1C, v34;
	v8 =	vld.idx.msk [tilespmem:v46+s15+$0x0], $0xffff  }
0x15d: {  	v53 =	vld.idx.msk [tilespmem:v48+s14+$0x0], $0xffff;
	v1 =	vadd.f32 v2, v1;
	v2 =	vmul.f32 v3, v24;
	v3 =	vmul.f32 v6, v47  }
0x15e: {  	v54 =	vor.u32 $0x1D, v34;
	v9 =	vld.idx.msk [tilespmem:v48+s15+$0x0], $0xffff  }
0x15f: {  	v55 =	vld.idx.msk [tilespmem:v50+s14+$0x0], $0xffff;
	v1 =	vadd.f32 v2, v1;
	v2 =	vmul.f32 v3, v25;
	v3 =	vmul.f32 v7, v49  }
0x160: {  	v56 =	vor.u32 $0x1E, v34;
	v5 =	vld.idx.msk [tilespmem:v50+s15+$0x0], $0xffff  }
0x161: {  	v57 =	vld.idx.msk [tilespmem:v52+s14+$0x0], $0xffff;
	v1 =	vadd.f32 v2, v1;
	v2 =	vmul.f32 v3, v26;
	v3 =	vmul.f32 v8, v51  }
0x162: {  	v58 =	vor.u32 $0x1F, v34;
	v4 =	vld.idx.msk [tilespmem:v52+s15+$0x0], $0xffff  }
0x163: {  	v59 =	vld.idx.msk [tilespmem:v54+s14+$0x0], $0xffff;
	v1 =	vadd.f32 v2, v1;
	v2 =	vmul.f32 v3, v27;
	v3 =	vmul.f32 v9, v53  }
0x164: {  	v6 =	vld.idx.msk [tilespmem:v54+s15+$0x0], $0xffff  }
0x165: {  	v60 =	vld.idx.msk [tilespmem:v56+s14+$0x0], $0xffff;
	v1 =	vadd.f32 v2, v1;
	v2 =	vmul.f32 v3, v28;
	v3 =	vmul.f32 v5, v55  }
0x166: {  	v61 =	vld.idx.msk [tilespmem:v56+s15+$0x0], $0xffff  }
0x167: {  	v62 =	vld.idx.msk [tilespmem:v58+s14+$0x0], $0xffff;
	v1 =	vadd.f32 v2, v1;
	v2 =	vmul.f32 v3, v29;
	v3 =	vmul.f32 v4, v57  }
0x168: {  	v63 =	vld.idx.msk [tilespmem:v58+s15+$0x0], $0xffff  }
0x169: {  	v1 =	vadd.f32 v2, v1;
	v2 =	vmul.f32 v3, v30;
	v3 =	vmul.f32 v6, v59;
	_ =	sdelay $0x1  }
0x16a: {  	v1 =	vadd.f32 v2, v1;
	v2 =	vmul.f32 v3, v31;
	v3 =	vmul.f32 v61, v60;
	_ =	sdelay $0x1  }
0x16b: {  	v1 =	vadd.f32 v2, v1;
	v2 =	vmul.f32 v3, v32;
	v3 =	vmul.f32 v63, v62;
	_ =	sdelay $0x1  }
0x16c: {  	v1 =	vadd.f32 v2, v1;
	v2 =	vmul.f32 v3, v33;
	_ =	sdelay $0x1  }
0x16d: {  	s30 =	sadd.s32 $0x1, s30;
	v1 =	vadd.f32 v2, v1  }
0x16e: {  	p0 =	sne.s32 s30, s9;
	s0 =	sadd.s32 $0x10, s0  }
.Ltmp1:
0x16f: {  	[tilespmem:s0+$0x0] =	vst v1;
	(pc) =	sbr.rel @p0 .LBB2_1-.Ltmp1, $4  }
0x170: {  	[hbm4b:s8+s1] =	stream.linear.scatter [tilespmem:s29], [sflag:$0x2], $0x200, $0x38;
	[tilespmem:$0x8630] =	vst v63  }
0x171: {  	_ =	swait.ge [sflag:s10], $0x200  }
0x172: {  	[sflag:s10] =	ssyncset.done $0x0  }
0x173: {  	[sflag:s10] =	ssyncadd.s32 $0xFFFFFE00  }
0x174: {  	_ =	sfence.sel $0x180000  }
0x175: {  	[bflag:$0x0] =	sbarrier.arrive $0xFFFF  }
0x176: {  	_ =	strace $0x90000047  }
0x177: {  	[bflag:$0x2] =	sbarrier.arrive $0xFFFF  }
0x178: {  	p0 =	sne.s32 s2, $0x0;
	s0 =	rddreg [dreg:$0x4]  }
0x179: {  	s0 =	sadd.s32 @!p0 $0x100000, s0  }
0x17a: {  	[sflag:s0] =	ssyncadd.tile.s32 @!p0 $0x1;
	_ =	shalt  }
.Lfunc_end2:
_tile_overlayer_lowered:
.L_overlay_start_2:
0x17b: {  	(tag) =	ssettag $0x2  }
0x17c: {  	s0 =	rddreg [dreg:$0x0];
	s2 =	stileid.u32  }
0x17d: {  	s1 =	rddreg [dreg:$0x1];
	p0 =	sne.s32 s2, $0x0  }
0x17e: {  	s3 =	rddreg [dreg:$0x2];
	[bflag:$0x3] =	sbarrier.arrive $0xFFFF;
	s2 =	simm.s32 @!p0 $0x1C02  }
0x17f: {  	[timem:s3], [sflag:s2] =	dma.local @!p0 [hbm:s0], s1  }
0x180: {  	s0 =	simm.s32 @!p0 $0x2  }
0x181: {  	_ =	swait.ge @!p0 [sflag:s0], s1  }
0x182: {  	s1 =	ssub.s32 @!p0 $0x0, s1;
	[sflag:s0] =	ssyncset.done @!p0 $0x0  }
0x183: {  	[sflag:s0] =	ssyncadd.s32 @!p0 s1  }
0x184: {  	[bflag:$0x3] =	sbarrier.arrive $0xFFFF  }
0x185: {  	_ =	shalt  }

</sc_bundles>
